<compile_context>
chip_gen: v7x
topology: tpu7x:2x2x1
jax: 0.10.2.dev20260603
libtpu: 0.0.44.dev20260713+nightly
codegen_flags: <defaults>
</compile_context>

<pallas_src>
import functools

import jax
import jax.numpy as jnp
from jax import lax
from jax.experimental import pallas as pl
from jax.experimental.pallas import tpu as pltpu
from jax.experimental.pallas import tpu_sc as plsc

N = 10000
E = 320000
D = 128
_EPS = 1e-5

_LN_BLOCK = 5000


def _ln_relu_body(feat_ref, g_ref, b_ref, out_ref):
    x = feat_ref[...]
    mean = jnp.mean(x, axis=-1, keepdims=True)
    xc = x - mean
    var = jnp.mean(xc * xc, axis=-1, keepdims=True)
    h = xc * lax.rsqrt(var + _EPS) * g_ref[...] + b_ref[...]
    out_ref[...] = jnp.maximum(h, 0.0)


def _ln_relu(feat, gamma2d, beta2d):
    n, d = feat.shape
    return pl.pallas_call(
        _ln_relu_body,
        grid=(n // _LN_BLOCK,),
        in_specs=[
            pl.BlockSpec((_LN_BLOCK, d), lambda i: (i, 0)),
            pl.BlockSpec((1, d), lambda i: (0, 0)),
            pl.BlockSpec((1, d), lambda i: (0, 0)),
        ],
        out_specs=pl.BlockSpec((_LN_BLOCK, d), lambda i: (i, 0)),
        out_shape=jax.ShapeDtypeStruct((n, d), jnp.float32),
    )(feat, gamma2d, beta2d)


_NC = 2
_NS = 16
_NW = _NC * _NS
_CH = 128
_NCHG = E // _CH
_MRING = 2
_IRING = 8
_UNROLL = 8
_NG = 11
_ZCH = 40
_RPT = 640
_NPAD = _RPT * _NS


def _make_sc_aggregate():
    mesh = plsc.VectorSubcoreMesh(core_axis_name="c", subcore_axis_name="s")

    @functools.partial(
        pl.kernel,
        out_type=jax.ShapeDtypeStruct((_NC, _NPAD, D), jnp.float32),
        mesh=mesh,
        scratch_types=[
            [pltpu.VMEM((2, _CH), jnp.int32) for _ in range(_IRING)],
            [pltpu.VMEM((_CH, D), jnp.float32) for _ in range(_MRING)],
            pltpu.VMEM((_ZCH, D), jnp.float32),
            pltpu.VMEM_SHARED((_NPAD, D), jnp.float32),
            [pltpu.SemaphoreType.DMA for _ in range(_IRING)],
            [pltpu.SemaphoreType.DMA for _ in range(_MRING)],
            [pltpu.SemaphoreType.DMA for _ in range(_MRING)],
            pltpu.SemaphoreType.DMA,
        ],
    )
    def sc_aggregate(h_hbm, idx_hbm, zero_hbm, out_hbm,
                     idx_v, msg_v, zbuf, agg, isem, gsem, ssem, zsem):
        c = lax.axis_index("c")
        s = lax.axis_index("s")
        w = s * _NC + c

        r0 = s * _RPT

        def idx_load(ci, j):
            base = pl.multiple_of((ci * _NW + w) * _CH, _CH)
            pltpu.async_copy(idx_hbm.at[:, pl.ds(base, _CH)], idx_v[j],
                             isem[j])

        def idx_wait(ci, j):
            base = pl.multiple_of((ci * _NW + w) * _CH, _CH)
            pltpu.make_async_copy(idx_hbm.at[:, pl.ds(base, _CH)], idx_v[j],
                                  isem[j]).wait()

        _CH2 = _CH // 2

        def gather(j8, j4):
            pltpu.async_copy(h_hbm.at[idx_v[j8].at[0, pl.ds(0, _CH2)]],
                             msg_v[j4].at[pl.ds(0, _CH2)], gsem[j4])
            pltpu.async_copy(h_hbm.at[idx_v[j8].at[0, pl.ds(_CH2, _CH2)]],
                             msg_v[j4].at[pl.ds(_CH2, _CH2)], gsem[j4])

        def gather_wait(j8, j4):
            pltpu.make_async_copy(h_hbm.at[idx_v[j8].at[0, pl.ds(0, _CH2)]],
                                  msg_v[j4].at[pl.ds(0, _CH2)], gsem[j4]).wait()
            pltpu.make_async_copy(h_hbm.at[idx_v[j8].at[0, pl.ds(_CH2, _CH2)]],
                                  msg_v[j4].at[pl.ds(_CH2, _CH2)],
                                  gsem[j4]).wait()

        def scatter(j8, j4):
            pltpu.async_copy(msg_v[j4], agg.at[idx_v[j8].at[1]], ssem[j4],
                             add=True)

        def scatter_wait(j8, j4):
            pltpu.make_async_copy(msg_v[j4], agg.at[idx_v[j8].at[1]],
                                  ssem[j4]).wait()

        def owned(ci):
            return ci * _NW + w < _NCHG

        for j in range(7):
            idx_load(j, j)
        idx_wait(0, 0)
        gather(0, 0)

        _NZ = _RPT // _ZCH
        pltpu.sync_copy(zero_hbm, zbuf)
        for k in range(_NZ):
            pltpu.async_copy(zbuf, agg.at[pl.ds(r0 + k * _ZCH, _ZCH)], zsem)
        for k in range(_NZ):
            pltpu.make_async_copy(zbuf, agg.at[pl.ds(r0 + k * _ZCH, _ZCH)],
                                  zsem).wait()
        plsc.subcore_barrier()

        def step(g, carry):
            for j in range(_UNROLL):
                ci = g * _UNROLL + j
                b = j % _MRING
                j8 = j % _IRING

                @pl.when(jnp.logical_and(ci >= 1, owned(ci - 1)))
                def _():
                    scatter_wait((j8 - 1) % _IRING, 1 - b)

                @pl.when(owned(ci + 1))
                def _():
                    idx_wait(ci + 1, (j8 + 1) % _IRING)
                    gather((j8 + 1) % _IRING, 1 - b)

                @pl.when(owned(ci))
                def _():
                    gather_wait(j8, b)
                    scatter(j8, b)

                @pl.when(owned(ci + 7))
                def _():
                    idx_load(ci + 7, (j8 + 7) % _IRING)

            return carry

        lax.fori_loop(0, _NG, step, 0)

        plsc.subcore_barrier()
        pltpu.sync_copy(agg.at[pl.ds(r0, _RPT)], out_hbm.at[c, pl.ds(r0, _RPT)])

    return sc_aggregate


_sc_aggregate = _make_sc_aggregate()


_MM_BLOCK = 5000


def _mm_body(p_ref, feat_ref, deg_ref, w_ref, b_ref, out_ref):
    agg = p_ref[0] + p_ref[1]
    y = jnp.dot(agg, w_ref[...], preferred_element_type=jnp.float32)
    y = y / deg_ref[...]
    out_ref[...] = feat_ref[...] + y + b_ref[...]


def _mm_residual(partial, feat, deg2d, W, bias2d):
    n, d = feat.shape
    return pl.pallas_call(
        _mm_body,
        grid=(n // _MM_BLOCK,),
        in_specs=[
            pl.BlockSpec((_NC, _MM_BLOCK, d), lambda i: (0, i, 0)),
            pl.BlockSpec((_MM_BLOCK, d), lambda i: (i, 0)),
            pl.BlockSpec((_MM_BLOCK, 1), lambda i: (i, 0)),
            pl.BlockSpec((d, d), lambda i: (0, 0)),
            pl.BlockSpec((1, d), lambda i: (0, 0)),
        ],
        out_specs=pl.BlockSpec((_MM_BLOCK, d), lambda i: (i, 0)),
        out_shape=jax.ShapeDtypeStruct((n, d), jnp.float32),
    )(partial, feat, deg2d, W, bias2d)


def kernel(feat, edge_index, in_deg, W, b, ln_gamma, ln_beta):
    n, d = feat.shape
    h = _ln_relu(feat, ln_gamma.reshape(1, d), ln_beta.reshape(1, d))
    zeros = jnp.zeros((_ZCH, d), jnp.float32)
    partial = _sc_aggregate(h, edge_index, zeros)
    return _mm_residual(partial, feat, in_deg.reshape(n, 1), W,
                        b.reshape(1, d))

# --- scband reference (transcript-rebuilt; emitter-appended) ---
"""Pipeline reference for scband-deeper-gcnlayer-58007828300525 (READ-ONLY COPY).

The authoritative reference and input builder live on the scoring server;
editing this copy changes nothing except your own understanding.
"""

import jax, jax.numpy as jnp
import numpy as np

N = 10000
E = 320000
D = 128


def setup_inputs(seed: int = 0) -> dict:
    key = jax.random.key(seed)
    k1, k2, k3 = jax.random.split(key, 3)
    feat = jax.random.normal(k1, (N, D), dtype=jnp.float32)
    edge_index = jax.random.randint(k2, (2, E), 0, N, dtype=jnp.int32)
    # in-degree of each dst node, clamped to >= 1 to avoid div-by-zero
    in_deg = jnp.maximum(jnp.bincount(edge_index[1], length=N), 1).astype(jnp.float32)
    # conv (GCN-style mean-aggregation + linear) parameters
    W = jax.random.normal(k3, (D, D), dtype=jnp.float32) / np.sqrt(D)
    b = jnp.zeros((D,), dtype=jnp.float32)
    # LayerNorm parameters
    ln_gamma = jnp.ones((D,), dtype=jnp.float32)
    ln_beta = jnp.zeros((D,), dtype=jnp.float32)
    return {
        "feat": feat,
        "edge_index": edge_index,
        "in_deg": in_deg,
        "W": W,
        "b": b,
        "ln_gamma": ln_gamma,
        "ln_beta": ln_beta,
    }


def reference(feat, edge_index, in_deg, W, b, ln_gamma, ln_beta):
    # DeeperGCNLayer, block='res+':  out = feat + Conv(Dropout(Act(Norm(feat))))
    # Norm = LayerNorm
    mean = jnp.mean(feat, axis=-1, keepdims=True)
    var = jnp.var(feat, axis=-1, keepdims=True)
    h = (feat - mean) / jnp.sqrt(var + 1e-5) * ln_gamma + ln_beta
    # Act = ReLU
    h = jax.nn.relu(h)
    # Dropout with p=0.0 (eval) is identity
    # Conv: degree-normalized message passing (gather src feats, scatter-add to dst,
    # normalize by in_deg, then linear projection)
    src = edge_index[0]
    dst = edge_index[1]
    msg = h[src]
    agg = jax.ops.segment_sum(msg, dst, num_segments=N)
    h = agg / in_deg[:, None]
    h = h @ W + b
    # residual ('res+')
    return feat[: h.shape[0]] + h

if __name__ == "__main__":
    import jax
    _d = setup_inputs()
    print(jax.jit(kernel)(*tuple(_d.values())))

</pallas_src>

<mosaic_0001>
#map = affine_map<(d0, d1) -> (0, 0)>
#map1 = affine_map<(d0, d1) -> (0, 0, 0)>
module attributes {stable_mosaic.version = 14 : i64} {
  func.func @sc_aggregate(%arg0: i32, %arg1: i32, %arg2: memref<10000x128xf32, #tpu.memory_space<hbm>>, %arg3: memref<2x320000xi32, #tpu.memory_space<hbm>>, %arg4: memref<40x128xf32, #tpu.memory_space<hbm>>, %arg5: memref<2x10240x128xf32, #tpu.memory_space<hbm>>, %arg6: memref<2x128xi32, #tpu.memory_space<vmem>>, %arg7: memref<2x128xi32, #tpu.memory_space<vmem>>, %arg8: memref<2x128xi32, #tpu.memory_space<vmem>>, %arg9: memref<2x128xi32, #tpu.memory_space<vmem>>, %arg10: memref<2x128xi32, #tpu.memory_space<vmem>>, %arg11: memref<2x128xi32, #tpu.memory_space<vmem>>, %arg12: memref<2x128xi32, #tpu.memory_space<vmem>>, %arg13: memref<2x128xi32, #tpu.memory_space<vmem>>, %arg14: memref<128x128xf32, #tpu.memory_space<vmem>>, %arg15: memref<128x128xf32, #tpu.memory_space<vmem>>, %arg16: memref<40x128xf32, #tpu.memory_space<vmem>>, %arg17: memref<10240x128xf32, #tpu.memory_space<vmem_shared>>, %arg18: memref<!tpu.dma_semaphore, #tpu.memory_space<semaphore_mem>>, %arg19: memref<!tpu.dma_semaphore, #tpu.memory_space<semaphore_mem>>, %arg20: memref<!tpu.dma_semaphore, #tpu.memory_space<semaphore_mem>>, %arg21: memref<!tpu.dma_semaphore, #tpu.memory_space<semaphore_mem>>, %arg22: memref<!tpu.dma_semaphore, #tpu.memory_space<semaphore_mem>>, %arg23: memref<!tpu.dma_semaphore, #tpu.memory_space<semaphore_mem>>, %arg24: memref<!tpu.dma_semaphore, #tpu.memory_space<semaphore_mem>>, %arg25: memref<!tpu.dma_semaphore, #tpu.memory_space<semaphore_mem>>, %arg26: memref<!tpu.dma_semaphore, #tpu.memory_space<semaphore_mem>>, %arg27: memref<!tpu.dma_semaphore, #tpu.memory_space<semaphore_mem>>, %arg28: memref<!tpu.dma_semaphore, #tpu.memory_space<semaphore_mem>>, %arg29: memref<!tpu.dma_semaphore, #tpu.memory_space<semaphore_mem>>, %arg30: memref<!tpu.dma_semaphore, #tpu.memory_space<semaphore_mem>>) attributes {dimension_semantics = [#tpu.dimension_semantics<core_parallel>, #tpu.dimension_semantics<subcore_parallel>], iteration_bounds = array<i64: 2, 16>, scalar_prefetch = 0 : i64, scratch_operands = 25 : i64, tpu.core_type = #tpu.core_type<sc_vector_subcore>, window_params = [{transform_indices = #map}, {transform_indices = #map}, {transform_indices = #map}, {transform_indices = #map1}]} {
    %mul3A = arith.constant 2 : i32
    %mul3A_0 = arith.muli %arg1, %mul3A : i32
    %add3A = arith.addi %mul3A_0, %arg0 : i32
    %mul3A_1 = arith.constant 640 : i32
    %mul3A_2 = arith.muli %arg1, %mul3A_1 : i32
    %add3A_3 = arith.constant 0 : i32
    %add3A_4 = arith.addi %add3A_3, %add3A : i32
    %mul3A_5 = arith.constant 128 : i32
    %mul3A_6 = arith.muli %add3A_4, %mul3A_5 : i32
    %multiple_of3A = tpu.assume_multiple %mul3A_6, 128 : i32
    %dma_start3A = arith.constant 0 : i32
    %dma_start3A_7 = tpu.memref_slice %arg3[%dma_start3A, %multiple_of3A] : memref<2x320000xi32, #tpu.memory_space<hbm>> -> memref<2x128xi32, #tpu.memory_space<hbm>>
    %dma_start3A_8 = arith.constant 0 : i32
    %dma_start3A_9 = tpu.memref_slice %arg3[%dma_start3A_8, %multiple_of3A] : memref<2x320000xi32, #tpu.memory_space<hbm>> -> memref<2x128xi32, #tpu.memory_space<hbm>>
    tpu.enqueue_dma source(%dma_start3A_9 : memref<2x128xi32, #tpu.memory_space<hbm>>) target(%arg6 : memref<2x128xi32, #tpu.memory_space<vmem>>) target_semaphore(%arg18 : memref<!tpu.dma_semaphore, #tpu.memory_space<semaphore_mem>>)
    %add3A_10 = arith.constant 32 : i32
    %add3A_11 = arith.addi %add3A_10, %add3A : i32
    %mul3A_12 = arith.constant 128 : i32
    %mul3A_13 = arith.muli %add3A_11, %mul3A_12 : i32
    %multiple_of3A_14 = tpu.assume_multiple %mul3A_13, 128 : i32
    %dma_start3A_15 = arith.constant 0 : i32
    %dma_start3A_16 = tpu.memref_slice %arg3[%dma_start3A_15, %multiple_of3A_14] : memref<2x320000xi32, #tpu.memory_space<hbm>> -> memref<2x128xi32, #tpu.memory_space<hbm>>
    %dma_start3A_17 = arith.constant 0 : i32
    %dma_start3A_18 = tpu.memref_slice %arg3[%dma_start3A_17, %multiple_of3A_14] : memref<2x320000xi32, #tpu.memory_space<hbm>> -> memref<2x128xi32, #tpu.memory_space<hbm>>
    tpu.enqueue_dma source(%dma_start3A_18 : memref<2x128xi32, #tpu.memory_space<hbm>>) target(%arg7 : memref<2x128xi32, #tpu.memory_space<vmem>>) target_semaphore(%arg19 : memref<!tpu.dma_semaphore, #tpu.memory_space<semaphore_mem>>)
    %add3A_19 = arith.constant 64 : i32
    %add3A_20 = arith.addi %add3A_19, %add3A : i32
    %mul3A_21 = arith.constant 128 : i32
    %mul3A_22 = arith.muli %add3A_20, %mul3A_21 : i32
    %multiple_of3A_23 = tpu.assume_multiple %mul3A_22, 128 : i32
    %dma_start3A_24 = arith.constant 0 : i32
    %dma_start3A_25 = tpu.memref_slice %arg3[%dma_start3A_24, %multiple_of3A_23] : memref<2x320000xi32, #tpu.memory_space<hbm>> -> memref<2x128xi32, #tpu.memory_space<hbm>>
    %dma_start3A_26 = arith.constant 0 : i32
    %dma_start3A_27 = tpu.memref_slice %arg3[%dma_start3A_26, %multiple_of3A_23] : memref<2x320000xi32, #tpu.memory_space<hbm>> -> memref<2x128xi32, #tpu.memory_space<hbm>>
    tpu.enqueue_dma source(%dma_start3A_27 : memref<2x128xi32, #tpu.memory_space<hbm>>) target(%arg8 : memref<2x128xi32, #tpu.memory_space<vmem>>) target_semaphore(%arg20 : memref<!tpu.dma_semaphore, #tpu.memory_space<semaphore_mem>>)
    %add3A_28 = arith.constant 96 : i32
    %add3A_29 = arith.addi %add3A_28, %add3A : i32
    %mul3A_30 = arith.constant 128 : i32
    %mul3A_31 = arith.muli %add3A_29, %mul3A_30 : i32
    %multiple_of3A_32 = tpu.assume_multiple %mul3A_31, 128 : i32
    %dma_start3A_33 = arith.constant 0 : i32
    %dma_start3A_34 = tpu.memref_slice %arg3[%dma_start3A_33, %multiple_of3A_32] : memref<2x320000xi32, #tpu.memory_space<hbm>> -> memref<2x128xi32, #tpu.memory_space<hbm>>
    %dma_start3A_35 = arith.constant 0 : i32
    %dma_start3A_36 = tpu.memref_slice %arg3[%dma_start3A_35, %multiple_of3A_32] : memref<2x320000xi32, #tpu.memory_space<hbm>> -> memref<2x128xi32, #tpu.memory_space<hbm>>
    tpu.enqueue_dma source(%dma_start3A_36 : memref<2x128xi32, #tpu.memory_space<hbm>>) target(%arg9 : memref<2x128xi32, #tpu.memory_space<vmem>>) target_semaphore(%arg21 : memref<!tpu.dma_semaphore, #tpu.memory_space<semaphore_mem>>)
    %add3A_37 = arith.constant 128 : i32
    %add3A_38 = arith.addi %add3A_37, %add3A : i32
    %mul3A_39 = arith.constant 128 : i32
    %mul3A_40 = arith.muli %add3A_38, %mul3A_39 : i32
    %multiple_of3A_41 = tpu.assume_multiple %mul3A_40, 128 : i32
    %dma_start3A_42 = arith.constant 0 : i32
    %dma_start3A_43 = tpu.memref_slice %arg3[%dma_start3A_42, %multiple_of3A_41] : memref<2x320000xi32, #tpu.memory_space<hbm>> -> memref<2x128xi32, #tpu.memory_space<hbm>>
    %dma_start3A_44 = arith.constant 0 : i32
    %dma_start3A_45 = tpu.memref_slice %arg3[%dma_start3A_44, %multiple_of3A_41] : memref<2x320000xi32, #tpu.memory_space<hbm>> -> memref<2x128xi32, #tpu.memory_space<hbm>>
    tpu.enqueue_dma source(%dma_start3A_45 : memref<2x128xi32, #tpu.memory_space<hbm>>) target(%arg10 : memref<2x128xi32, #tpu.memory_space<vmem>>) target_semaphore(%arg22 : memref<!tpu.dma_semaphore, #tpu.memory_space<semaphore_mem>>)
    %add3A_46 = arith.constant 160 : i32
    %add3A_47 = arith.addi %add3A_46, %add3A : i32
    %mul3A_48 = arith.constant 128 : i32
    %mul3A_49 = arith.muli %add3A_47, %mul3A_48 : i32
    %multiple_of3A_50 = tpu.assume_multiple %mul3A_49, 128 : i32
    %dma_start3A_51 = arith.constant 0 : i32
    %dma_start3A_52 = tpu.memref_slice %arg3[%dma_start3A_51, %multiple_of3A_50] : memref<2x320000xi32, #tpu.memory_space<hbm>> -> memref<2x128xi32, #tpu.memory_space<hbm>>
    %dma_start3A_53 = arith.constant 0 : i32
    %dma_start3A_54 = tpu.memref_slice %arg3[%dma_start3A_53, %multiple_of3A_50] : memref<2x320000xi32, #tpu.memory_space<hbm>> -> memref<2x128xi32, #tpu.memory_space<hbm>>
    tpu.enqueue_dma source(%dma_start3A_54 : memref<2x128xi32, #tpu.memory_space<hbm>>) target(%arg11 : memref<2x128xi32, #tpu.memory_space<vmem>>) target_semaphore(%arg23 : memref<!tpu.dma_semaphore, #tpu.memory_space<semaphore_mem>>)
    %add3A_55 = arith.constant 192 : i32
    %add3A_56 = arith.addi %add3A_55, %add3A : i32
    %mul3A_57 = arith.constant 128 : i32
    %mul3A_58 = arith.muli %add3A_56, %mul3A_57 : i32
    %multiple_of3A_59 = tpu.assume_multiple %mul3A_58, 128 : i32
    %dma_start3A_60 = arith.constant 0 : i32
    %dma_start3A_61 = tpu.memref_slice %arg3[%dma_start3A_60, %multiple_of3A_59] : memref<2x320000xi32, #tpu.memory_space<hbm>> -> memref<2x128xi32, #tpu.memory_space<hbm>>
    %dma_start3A_62 = arith.constant 0 : i32
    %dma_start3A_63 = tpu.memref_slice %arg3[%dma_start3A_62, %multiple_of3A_59] : memref<2x320000xi32, #tpu.memory_space<hbm>> -> memref<2x128xi32, #tpu.memory_space<hbm>>
    tpu.enqueue_dma source(%dma_start3A_63 : memref<2x128xi32, #tpu.memory_space<hbm>>) target(%arg12 : memref<2x128xi32, #tpu.memory_space<vmem>>) target_semaphore(%arg24 : memref<!tpu.dma_semaphore, #tpu.memory_space<semaphore_mem>>)
    %add3A_64 = arith.constant 0 : i32
    %add3A_65 = arith.addi %add3A_64, %add3A : i32
    %mul3A_66 = arith.constant 128 : i32
    %mul3A_67 = arith.muli %add3A_65, %mul3A_66 : i32
    %multiple_of3A_68 = tpu.assume_multiple %mul3A_67, 128 : i32
    %dma_wait3A = arith.constant 0 : i32
    %dma_wait3A_69 = tpu.memref_slice %arg3[%dma_wait3A, %multiple_of3A_68] : memref<2x320000xi32, #tpu.memory_space<hbm>> -> memref<2x128xi32, #tpu.memory_space<hbm>>
    %dma_wait3A_70 = arith.constant 0 : i32
    %dma_wait3A_71 = tpu.memref_slice %arg3[%dma_wait3A_70, %multiple_of3A_68] : memref<2x320000xi32, #tpu.memory_space<hbm>> -> memref<2x128xi32, #tpu.memory_space<hbm>>
    tpu.wait_dma2 semaphore(%arg18 : memref<!tpu.dma_semaphore, #tpu.memory_space<semaphore_mem>>) src(%dma_wait3A_71 : memref<2x128xi32, #tpu.memory_space<hbm>>) dst(%arg6 : memref<2x128xi32, #tpu.memory_space<vmem>>)
    %dma_start3A_72 = arith.constant 0 : i32
    %dma_start3A_73 = arith.constant 0 : i32
    %dma_start3A_74 = arith.constant 0 : i32
    %dma_start3A_75 = tpu.memref_slice %arg14[%dma_start3A_73, %dma_start3A_74] : memref<128x128xf32, #tpu.memory_space<vmem>> -> memref<64x128xf32, #tpu.memory_space<vmem>>
    %dma_start3A_76 = arith.constant 0 : i32
    %dma_start3A_77 = tpu.memref_slice %arg6[%dma_start3A_72, %dma_start3A_76] : memref<2x128xi32, #tpu.memory_space<vmem>> -> memref<1x64xi32, #tpu.memory_space<vmem>>
    %dma_start3A_78 = tpu.memref_squeeze %dma_start3A_77 : memref<1x64xi32, #tpu.memory_space<vmem>> -> memref<64xi32, #tpu.memory_space<vmem>>
    %dma_start3A_79 = arith.constant 0 : i32
    %dma_start3A_80 = arith.constant 0 : i32
    %dma_start3A_81 = tpu.memref_slice %arg2[%dma_start3A_79, %dma_start3A_80] : memref<10000x128xf32, #tpu.memory_space<hbm>> -> memref<10000x128xf32, #tpu.memory_space<hbm>>
    tpu.enqueue_indirect_dma source(%dma_start3A_81 : memref<10000x128xf32, #tpu.memory_space<hbm>>) target(%dma_start3A_75 : memref<64x128xf32, #tpu.memory_space<vmem>>) offsets(%dma_start3A_78 : memref<64xi32, #tpu.memory_space<vmem>>) semaphore(%arg26 : memref<!tpu.dma_semaphore, #tpu.memory_space<semaphore_mem>>)
    %dma_start3A_82 = arith.constant 0 : i32
    %dma_start3A_83 = arith.constant 64 : i32
    %dma_start3A_84 = arith.constant 0 : i32
    %dma_start3A_85 = tpu.memref_slice %arg14[%dma_start3A_83, %dma_start3A_84] : memref<128x128xf32, #tpu.memory_space<vmem>> -> memref<64x128xf32, #tpu.memory_space<vmem>>
    %dma_start3A_86 = arith.constant 64 : i32
    %dma_start3A_87 = tpu.memref_slice %arg6[%dma_start3A_82, %dma_start3A_86] : memref<2x128xi32, #tpu.memory_space<vmem>> -> memref<1x64xi32, #tpu.memory_space<vmem>>
    %dma_start3A_88 = tpu.memref_squeeze %dma_start3A_87 : memref<1x64xi32, #tpu.memory_space<vmem>> -> memref<64xi32, #tpu.memory_space<vmem>>
    %dma_start3A_89 = arith.constant 0 : i32
    %dma_start3A_90 = arith.constant 0 : i32
    %dma_start3A_91 = tpu.memref_slice %arg2[%dma_start3A_89, %dma_start3A_90] : memref<10000x128xf32, #tpu.memory_space<hbm>> -> memref<10000x128xf32, #tpu.memory_space<hbm>>
    tpu.enqueue_indirect_dma source(%dma_start3A_91 : memref<10000x128xf32, #tpu.memory_space<hbm>>) target(%dma_start3A_85 : memref<64x128xf32, #tpu.memory_space<vmem>>) offsets(%dma_start3A_88 : memref<64xi32, #tpu.memory_space<vmem>>) semaphore(%arg26 : memref<!tpu.dma_semaphore, #tpu.memory_space<semaphore_mem>>)
    "tpu.region"() ({
      %run_scoped3A = tpu.sem_alloc : memref<!tpu.dma_semaphore, #tpu.memory_space<semaphore_mem>>
      tpu.enqueue_dma source(%arg4 : memref<40x128xf32, #tpu.memory_space<hbm>>) target(%arg16 : memref<40x128xf32, #tpu.memory_space<vmem>>) target_semaphore(%run_scoped3A : memref<!tpu.dma_semaphore, #tpu.memory_space<semaphore_mem>>)
      tpu.wait_dma2 semaphore(%run_scoped3A : memref<!tpu.dma_semaphore, #tpu.memory_space<semaphore_mem>>) src(%arg4 : memref<40x128xf32, #tpu.memory_space<hbm>>) dst(%arg16 : memref<40x128xf32, #tpu.memory_space<vmem>>)
      tpu.yield
    }) : () -> ()
    %add3A_92 = arith.constant 0 : i32
    %add3A_93 = arith.addi %mul3A_2, %add3A_92 : i32
    %dma_start3A_94 = arith.constant 0 : i32
    %dma_start3A_95 = tpu.memref_slice %arg17[%add3A_93, %dma_start3A_94] : memref<10240x128xf32, #tpu.memory_space<vmem_shared>> -> memref<40x128xf32, #tpu.memory_space<vmem_shared>>
    %dma_start3A_96 = arith.constant 0 : i32
    %dma_start3A_97 = tpu.memref_slice %arg17[%add3A_93, %dma_start3A_96] : memref<10240x128xf32, #tpu.memory_space<vmem_shared>> -> memref<40x128xf32, #tpu.memory_space<vmem_shared>>
    tpu.enqueue_dma source(%arg16 : memref<40x128xf32, #tpu.memory_space<vmem>>) target(%dma_start3A_97 : memref<40x128xf32, #tpu.memory_space<vmem_shared>>) target_semaphore(%arg30 : memref<!tpu.dma_semaphore, #tpu.memory_space<semaphore_mem>>)
    %add3A_98 = arith.constant 40 : i32
    %add3A_99 = arith.addi %mul3A_2, %add3A_98 : i32
    %dma_start3A_100 = arith.constant 0 : i32
    %dma_start3A_101 = tpu.memref_slice %arg17[%add3A_99, %dma_start3A_100] : memref<10240x128xf32, #tpu.memory_space<vmem_shared>> -> memref<40x128xf32, #tpu.memory_space<vmem_shared>>
    %dma_start3A_102 = arith.constant 0 : i32
    %dma_start3A_103 = tpu.memref_slice %arg17[%add3A_99, %dma_start3A_102] : memref<10240x128xf32, #tpu.memory_space<vmem_shared>> -> memref<40x128xf32, #tpu.memory_space<vmem_shared>>
    tpu.enqueue_dma source(%arg16 : memref<40x128xf32, #tpu.memory_space<vmem>>) target(%dma_start3A_103 : memref<40x128xf32, #tpu.memory_space<vmem_shared>>) target_semaphore(%arg30 : memref<!tpu.dma_semaphore, #tpu.memory_space<semaphore_mem>>)
    %add3A_104 = arith.constant 80 : i32
    %add3A_105 = arith.addi %mul3A_2, %add3A_104 : i32
    %dma_start3A_106 = arith.constant 0 : i32
    %dma_start3A_107 = tpu.memref_slice %arg17[%add3A_105, %dma_start3A_106] : memref<10240x128xf32, #tpu.memory_space<vmem_shared>> -> memref<40x128xf32, #tpu.memory_space<vmem_shared>>
    %dma_start3A_108 = arith.constant 0 : i32
    %dma_start3A_109 = tpu.memref_slice %arg17[%add3A_105, %dma_start3A_108] : memref<10240x128xf32, #tpu.memory_space<vmem_shared>> -> memref<40x128xf32, #tpu.memory_space<vmem_shared>>
    tpu.enqueue_dma source(%arg16 : memref<40x128xf32, #tpu.memory_space<vmem>>) target(%dma_start3A_109 : memref<40x128xf32, #tpu.memory_space<vmem_shared>>) target_semaphore(%arg30 : memref<!tpu.dma_semaphore, #tpu.memory_space<semaphore_mem>>)
    %add3A_110 = arith.constant 120 : i32
    %add3A_111 = arith.addi %mul3A_2, %add3A_110 : i32
    %dma_start3A_112 = arith.constant 0 : i32
    %dma_start3A_113 = tpu.memref_slice %arg17[%add3A_111, %dma_start3A_112] : memref<10240x128xf32, #tpu.memory_space<vmem_shared>> -> memref<40x128xf32, #tpu.memory_space<vmem_shared>>
    %dma_start3A_114 = arith.constant 0 : i32
    %dma_start3A_115 = tpu.memref_slice %arg17[%add3A_111, %dma_start3A_114] : memref<10240x128xf32, #tpu.memory_space<vmem_shared>> -> memref<40x128xf32, #tpu.memory_space<vmem_shared>>
    tpu.enqueue_dma source(%arg16 : memref<40x128xf32, #tpu.memory_space<vmem>>) target(%dma_start3A_115 : memref<40x128xf32, #tpu.memory_space<vmem_shared>>) target_semaphore(%arg30 : memref<!tpu.dma_semaphore, #tpu.memory_space<semaphore_mem>>)
    %add3A_116 = arith.constant 160 : i32
    %add3A_117 = arith.addi %mul3A_2, %add3A_116 : i32
    %dma_start3A_118 = arith.constant 0 : i32
    %dma_start3A_119 = tpu.memref_slice %arg17[%add3A_117, %dma_start3A_118] : memref<10240x128xf32, #tpu.memory_space<vmem_shared>> -> memref<40x128xf32, #tpu.memory_space<vmem_shared>>
    %dma_start3A_120 = arith.constant 0 : i32
    %dma_start3A_121 = tpu.memref_slice %arg17[%add3A_117, %dma_start3A_120] : memref<10240x128xf32, #tpu.memory_space<vmem_shared>> -> memref<40x128xf32, #tpu.memory_space<vmem_shared>>
    tpu.enqueue_dma source(%arg16 : memref<40x128xf32, #tpu.memory_space<vmem>>) target(%dma_start3A_121 : memref<40x128xf32, #tpu.memory_space<vmem_shared>>) target_semaphore(%arg30 : memref<!tpu.dma_semaphore, #tpu.memory_space<semaphore_mem>>)
    %add3A_122 = arith.constant 200 : i32
    %add3A_123 = arith.addi %mul3A_2, %add3A_122 : i32
    %dma_start3A_124 = arith.constant 0 : i32
    %dma_start3A_125 = tpu.memref_slice %arg17[%add3A_123, %dma_start3A_124] : memref<10240x128xf32, #tpu.memory_space<vmem_shared>> -> memref<40x128xf32, #tpu.memory_space<vmem_shared>>
    %dma_start3A_126 = arith.constant 0 : i32
    %dma_start3A_127 = tpu.memref_slice %arg17[%add3A_123, %dma_start3A_126] : memref<10240x128xf32, #tpu.memory_space<vmem_shared>> -> memref<40x128xf32, #tpu.memory_space<vmem_shared>>
    tpu.enqueue_dma source(%arg16 : memref<40x128xf32, #tpu.memory_space<vmem>>) target(%dma_start3A_127 : memref<40x128xf32, #tpu.memory_space<vmem_shared>>) target_semaphore(%arg30 : memref<!tpu.dma_semaphore, #tpu.memory_space<semaphore_mem>>)
    %add3A_128 = arith.constant 240 : i32
    %add3A_129 = arith.addi %mul3A_2, %add3A_128 : i32
    %dma_start3A_130 = arith.constant 0 : i32
    %dma_start3A_131 = tpu.memref_slice %arg17[%add3A_129, %dma_start3A_130] : memref<10240x128xf32, #tpu.memory_space<vmem_shared>> -> memref<40x128xf32, #tpu.memory_space<vmem_shared>>
    %dma_start3A_132 = arith.constant 0 : i32
    %dma_start3A_133 = tpu.memref_slice %arg17[%add3A_129, %dma_start3A_132] : memref<10240x128xf32, #tpu.memory_space<vmem_shared>> -> memref<40x128xf32, #tpu.memory_space<vmem_shared>>
    tpu.enqueue_dma source(%arg16 : memref<40x128xf32, #tpu.memory_space<vmem>>) target(%dma_start3A_133 : memref<40x128xf32, #tpu.memory_space<vmem_shared>>) target_semaphore(%arg30 : memref<!tpu.dma_semaphore, #tpu.memory_space<semaphore_mem>>)
    %add3A_134 = arith.constant 280 : i32
    %add3A_135 = arith.addi %mul3A_2, %add3A_134 : i32
    %dma_start3A_136 = arith.constant 0 : i32
    %dma_start3A_137 = tpu.memref_slice %arg17[%add3A_135, %dma_start3A_136] : memref<10240x128xf32, #tpu.memory_space<vmem_shared>> -> memref<40x128xf32, #tpu.memory_space<vmem_shared>>
    %dma_start3A_138 = arith.constant 0 : i32
    %dma_start3A_139 = tpu.memref_slice %arg17[%add3A_135, %dma_start3A_138] : memref<10240x128xf32, #tpu.memory_space<vmem_shared>> -> memref<40x128xf32, #tpu.memory_space<vmem_shared>>
    tpu.enqueue_dma source(%arg16 : memref<40x128xf32, #tpu.memory_space<vmem>>) target(%dma_start3A_139 : memref<40x128xf32, #tpu.memory_space<vmem_shared>>) target_semaphore(%arg30 : memref<!tpu.dma_semaphore, #tpu.memory_space<semaphore_mem>>)
    %add3A_140 = arith.constant 320 : i32
    %add3A_141 = arith.addi %mul3A_2, %add3A_140 : i32
    %dma_start3A_142 = arith.constant 0 : i32
    %dma_start3A_143 = tpu.memref_slice %arg17[%add3A_141, %dma_start3A_142] : memref<10240x128xf32, #tpu.memory_space<vmem_shared>> -> memref<40x128xf32, #tpu.memory_space<vmem_shared>>
    %dma_start3A_144 = arith.constant 0 : i32
    %dma_start3A_145 = tpu.memref_slice %arg17[%add3A_141, %dma_start3A_144] : memref<10240x128xf32, #tpu.memory_space<vmem_shared>> -> memref<40x128xf32, #tpu.memory_space<vmem_shared>>
    tpu.enqueue_dma source(%arg16 : memref<40x128xf32, #tpu.memory_space<vmem>>) target(%dma_start3A_145 : memref<40x128xf32, #tpu.memory_space<vmem_shared>>) target_semaphore(%arg30 : memref<!tpu.dma_semaphore, #tpu.memory_space<semaphore_mem>>)
    %add3A_146 = arith.constant 360 : i32
    %add3A_147 = arith.addi %mul3A_2, %add3A_146 : i32
    %dma_start3A_148 = arith.constant 0 : i32
    %dma_start3A_149 = tpu.memref_slice %arg17[%add3A_147, %dma_start3A_148] : memref<10240x128xf32, #tpu.memory_space<vmem_shared>> -> memref<40x128xf32, #tpu.memory_space<vmem_shared>>
    %dma_start3A_150 = arith.constant 0 : i32
    %dma_start3A_151 = tpu.memref_slice %arg17[%add3A_147, %dma_start3A_150] : memref<10240x128xf32, #tpu.memory_space<vmem_shared>> -> memref<40x128xf32, #tpu.memory_space<vmem_shared>>
    tpu.enqueue_dma source(%arg16 : memref<40x128xf32, #tpu.memory_space<vmem>>) target(%dma_start3A_151 : memref<40x128xf32, #tpu.memory_space<vmem_shared>>) target_semaphore(%arg30 : memref<!tpu.dma_semaphore, #tpu.memory_space<semaphore_mem>>)
    %add3A_152 = arith.constant 400 : i32
    %add3A_153 = arith.addi %mul3A_2, %add3A_152 : i32
    %dma_start3A_154 = arith.constant 0 : i32
    %dma_start3A_155 = tpu.memref_slice %arg17[%add3A_153, %dma_start3A_154] : memref<10240x128xf32, #tpu.memory_space<vmem_shared>> -> memref<40x128xf32, #tpu.memory_space<vmem_shared>>
    %dma_start3A_156 = arith.constant 0 : i32
    %dma_start3A_157 = tpu.memref_slice %arg17[%add3A_153, %dma_start3A_156] : memref<10240x128xf32, #tpu.memory_space<vmem_shared>> -> memref<40x128xf32, #tpu.memory_space<vmem_shared>>
    tpu.enqueue_dma source(%arg16 : memref<40x128xf32, #tpu.memory_space<vmem>>) target(%dma_start3A_157 : memref<40x128xf32, #tpu.memory_space<vmem_shared>>) target_semaphore(%arg30 : memref<!tpu.dma_semaphore, #tpu.memory_space<semaphore_mem>>)
    %add3A_158 = arith.constant 440 : i32
    %add3A_159 = arith.addi %mul3A_2, %add3A_158 : i32
    %dma_start3A_160 = arith.constant 0 : i32
    %dma_start3A_161 = tpu.memref_slice %arg17[%add3A_159, %dma_start3A_160] : memref<10240x128xf32, #tpu.memory_space<vmem_shared>> -> memref<40x128xf32, #tpu.memory_space<vmem_shared>>
    %dma_start3A_162 = arith.constant 0 : i32
    %dma_start3A_163 = tpu.memref_slice %arg17[%add3A_159, %dma_start3A_162] : memref<10240x128xf32, #tpu.memory_space<vmem_shared>> -> memref<40x128xf32, #tpu.memory_space<vmem_shared>>
    tpu.enqueue_dma source(%arg16 : memref<40x128xf32, #tpu.memory_space<vmem>>) target(%dma_start3A_163 : memref<40x128xf32, #tpu.memory_space<vmem_shared>>) target_semaphore(%arg30 : memref<!tpu.dma_semaphore, #tpu.memory_space<semaphore_mem>>)
    %add3A_164 = arith.constant 480 : i32
    %add3A_165 = arith.addi %mul3A_2, %add3A_164 : i32
    %dma_start3A_166 = arith.constant 0 : i32
    %dma_start3A_167 = tpu.memref_slice %arg17[%add3A_165, %dma_start3A_166] : memref<10240x128xf32, #tpu.memory_space<vmem_shared>> -> memref<40x128xf32, #tpu.memory_space<vmem_shared>>
    %dma_start3A_168 = arith.constant 0 : i32
    %dma_start3A_169 = tpu.memref_slice %arg17[%add3A_165, %dma_start3A_168] : memref<10240x128xf32, #tpu.memory_space<vmem_shared>> -> memref<40x128xf32, #tpu.memory_space<vmem_shared>>
    tpu.enqueue_dma source(%arg16 : memref<40x128xf32, #tpu.memory_space<vmem>>) target(%dma_start3A_169 : memref<40x128xf32, #tpu.memory_space<vmem_shared>>) target_semaphore(%arg30 : memref<!tpu.dma_semaphore, #tpu.memory_space<semaphore_mem>>)
    %add3A_170 = arith.constant 520 : i32
    %add3A_171 = arith.addi %mul3A_2, %add3A_170 : i32
    %dma_start3A_172 = arith.constant 0 : i32
    %dma_start3A_173 = tpu.memref_slice %arg17[%add3A_171, %dma_start3A_172] : memref<10240x128xf32, #tpu.memory_space<vmem_shared>> -> memref<40x128xf32, #tpu.memory_space<vmem_shared>>
    %dma_start3A_174 = arith.constant 0 : i32
    %dma_start3A_175 = tpu.memref_slice %arg17[%add3A_171, %dma_start3A_174] : memref<10240x128xf32, #tpu.memory_space<vmem_shared>> -> memref<40x128xf32, #tpu.memory_space<vmem_shared>>
    tpu.enqueue_dma source(%arg16 : memref<40x128xf32, #tpu.memory_space<vmem>>) target(%dma_start3A_175 : memref<40x128xf32, #tpu.memory_space<vmem_shared>>) target_semaphore(%arg30 : memref<!tpu.dma_semaphore, #tpu.memory_space<semaphore_mem>>)
    %add3A_176 = arith.constant 560 : i32
    %add3A_177 = arith.addi %mul3A_2, %add3A_176 : i32
    %dma_start3A_178 = arith.constant 0 : i32
    %dma_start3A_179 = tpu.memref_slice %arg17[%add3A_177, %dma_start3A_178] : memref<10240x128xf32, #tpu.memory_space<vmem_shared>> -> memref<40x128xf32, #tpu.memory_space<vmem_shared>>
    %dma_start3A_180 = arith.constant 0 : i32
    %dma_start3A_181 = tpu.memref_slice %arg17[%add3A_177, %dma_start3A_180] : memref<10240x128xf32, #tpu.memory_space<vmem_shared>> -> memref<40x128xf32, #tpu.memory_space<vmem_shared>>
    tpu.enqueue_dma source(%arg16 : memref<40x128xf32, #tpu.memory_space<vmem>>) target(%dma_start3A_181 : memref<40x128xf32, #tpu.memory_space<vmem_shared>>) target_semaphore(%arg30 : memref<!tpu.dma_semaphore, #tpu.memory_space<semaphore_mem>>)
    %add3A_182 = arith.constant 600 : i32
    %add3A_183 = arith.addi %mul3A_2, %add3A_182 : i32
    %dma_start3A_184 = arith.constant 0 : i32
    %dma_start3A_185 = tpu.memref_slice %arg17[%add3A_183, %dma_start3A_184] : memref<10240x128xf32, #tpu.memory_space<vmem_shared>> -> memref<40x128xf32, #tpu.memory_space<vmem_shared>>
    %dma_start3A_186 = arith.constant 0 : i32
    %dma_start3A_187 = tpu.memref_slice %arg17[%add3A_183, %dma_start3A_186] : memref<10240x128xf32, #tpu.memory_space<vmem_shared>> -> memref<40x128xf32, #tpu.memory_space<vmem_shared>>
    tpu.enqueue_dma source(%arg16 : memref<40x128xf32, #tpu.memory_space<vmem>>) target(%dma_start3A_187 : memref<40x128xf32, #tpu.memory_space<vmem_shared>>) target_semaphore(%arg30 : memref<!tpu.dma_semaphore, #tpu.memory_space<semaphore_mem>>)
    %add3A_188 = arith.constant 0 : i32
    %add3A_189 = arith.addi %mul3A_2, %add3A_188 : i32
    %dma_wait3A_190 = arith.constant 0 : i32
    %dma_wait3A_191 = tpu.memref_slice %arg17[%add3A_189, %dma_wait3A_190] : memref<10240x128xf32, #tpu.memory_space<vmem_shared>> -> memref<40x128xf32, #tpu.memory_space<vmem_shared>>
    %dma_wait3A_192 = arith.constant 0 : i32
    %dma_wait3A_193 = tpu.memref_slice %arg17[%add3A_189, %dma_wait3A_192] : memref<10240x128xf32, #tpu.memory_space<vmem_shared>> -> memref<40x128xf32, #tpu.memory_space<vmem_shared>>
    tpu.wait_dma2 semaphore(%arg30 : memref<!tpu.dma_semaphore, #tpu.memory_space<semaphore_mem>>) src(%arg16 : memref<40x128xf32, #tpu.memory_space<vmem>>) dst(%dma_wait3A_193 : memref<40x128xf32, #tpu.memory_space<vmem_shared>>)
    %add3A_194 = arith.constant 40 : i32
    %add3A_195 = arith.addi %mul3A_2, %add3A_194 : i32
    %dma_wait3A_196 = arith.constant 0 : i32
    %dma_wait3A_197 = tpu.memref_slice %arg17[%add3A_195, %dma_wait3A_196] : memref<10240x128xf32, #tpu.memory_space<vmem_shared>> -> memref<40x128xf32, #tpu.memory_space<vmem_shared>>
    %dma_wait3A_198 = arith.constant 0 : i32
    %dma_wait3A_199 = tpu.memref_slice %arg17[%add3A_195, %dma_wait3A_198] : memref<10240x128xf32, #tpu.memory_space<vmem_shared>> -> memref<40x128xf32, #tpu.memory_space<vmem_shared>>
    tpu.wait_dma2 semaphore(%arg30 : memref<!tpu.dma_semaphore, #tpu.memory_space<semaphore_mem>>) src(%arg16 : memref<40x128xf32, #tpu.memory_space<vmem>>) dst(%dma_wait3A_199 : memref<40x128xf32, #tpu.memory_space<vmem_shared>>)
    %add3A_200 = arith.constant 80 : i32
    %add3A_201 = arith.addi %mul3A_2, %add3A_200 : i32
    %dma_wait3A_202 = arith.constant 0 : i32
    %dma_wait3A_203 = tpu.memref_slice %arg17[%add3A_201, %dma_wait3A_202] : memref<10240x128xf32, #tpu.memory_space<vmem_shared>> -> memref<40x128xf32, #tpu.memory_space<vmem_shared>>
    %dma_wait3A_204 = arith.constant 0 : i32
    %dma_wait3A_205 = tpu.memref_slice %arg17[%add3A_201, %dma_wait3A_204] : memref<10240x128xf32, #tpu.memory_space<vmem_shared>> -> memref<40x128xf32, #tpu.memory_space<vmem_shared>>
    tpu.wait_dma2 semaphore(%arg30 : memref<!tpu.dma_semaphore, #tpu.memory_space<semaphore_mem>>) src(%arg16 : memref<40x128xf32, #tpu.memory_space<vmem>>) dst(%dma_wait3A_205 : memref<40x128xf32, #tpu.memory_space<vmem_shared>>)
    %add3A_206 = arith.constant 120 : i32
    %add3A_207 = arith.addi %mul3A_2, %add3A_206 : i32
    %dma_wait3A_208 = arith.constant 0 : i32
    %dma_wait3A_209 = tpu.memref_slice %arg17[%add3A_207, %dma_wait3A_208] : memref<10240x128xf32, #tpu.memory_space<vmem_shared>> -> memref<40x128xf32, #tpu.memory_space<vmem_shared>>
    %dma_wait3A_210 = arith.constant 0 : i32
    %dma_wait3A_211 = tpu.memref_slice %arg17[%add3A_207, %dma_wait3A_210] : memref<10240x128xf32, #tpu.memory_space<vmem_shared>> -> memref<40x128xf32, #tpu.memory_space<vmem_shared>>
    tpu.wait_dma2 semaphore(%arg30 : memref<!tpu.dma_semaphore, #tpu.memory_space<semaphore_mem>>) src(%arg16 : memref<40x128xf32, #tpu.memory_space<vmem>>) dst(%dma_wait3A_211 : memref<40x128xf32, #tpu.memory_space<vmem_shared>>)
    %add3A_212 = arith.constant 160 : i32
    %add3A_213 = arith.addi %mul3A_2, %add3A_212 : i32
    %dma_wait3A_214 = arith.constant 0 : i32
    %dma_wait3A_215 = tpu.memref_slice %arg17[%add3A_213, %dma_wait3A_214] : memref<10240x128xf32, #tpu.memory_space<vmem_shared>> -> memref<40x128xf32, #tpu.memory_space<vmem_shared>>
    %dma_wait3A_216 = arith.constant 0 : i32
    %dma_wait3A_217 = tpu.memref_slice %arg17[%add3A_213, %dma_wait3A_216] : memref<10240x128xf32, #tpu.memory_space<vmem_shared>> -> memref<40x128xf32, #tpu.memory_space<vmem_shared>>
    tpu.wait_dma2 semaphore(%arg30 : memref<!tpu.dma_semaphore, #tpu.memory_space<semaphore_mem>>) src(%arg16 : memref<40x128xf32, #tpu.memory_space<vmem>>) dst(%dma_wait3A_217 : memref<40x128xf32, #tpu.memory_space<vmem_shared>>)
    %add3A_218 = arith.constant 200 : i32
    %add3A_219 = arith.addi %mul3A_2, %add3A_218 : i32
    %dma_wait3A_220 = arith.constant 0 : i32
    %dma_wait3A_221 = tpu.memref_slice %arg17[%add3A_219, %dma_wait3A_220] : memref<10240x128xf32, #tpu.memory_space<vmem_shared>> -> memref<40x128xf32, #tpu.memory_space<vmem_shared>>
    %dma_wait3A_222 = arith.constant 0 : i32
    %dma_wait3A_223 = tpu.memref_slice %arg17[%add3A_219, %dma_wait3A_222] : memref<10240x128xf32, #tpu.memory_space<vmem_shared>> -> memref<40x128xf32, #tpu.memory_space<vmem_shared>>
    tpu.wait_dma2 semaphore(%arg30 : memref<!tpu.dma_semaphore, #tpu.memory_space<semaphore_mem>>) src(%arg16 : memref<40x128xf32, #tpu.memory_space<vmem>>) dst(%dma_wait3A_223 : memref<40x128xf32, #tpu.memory_space<vmem_shared>>)
    %add3A_224 = arith.constant 240 : i32
    %add3A_225 = arith.addi %mul3A_2, %add3A_224 : i32
    %dma_wait3A_226 = arith.constant 0 : i32
    %dma_wait3A_227 = tpu.memref_slice %arg17[%add3A_225, %dma_wait3A_226] : memref<10240x128xf32, #tpu.memory_space<vmem_shared>> -> memref<40x128xf32, #tpu.memory_space<vmem_shared>>
    %dma_wait3A_228 = arith.constant 0 : i32
    %dma_wait3A_229 = tpu.memref_slice %arg17[%add3A_225, %dma_wait3A_228] : memref<10240x128xf32, #tpu.memory_space<vmem_shared>> -> memref<40x128xf32, #tpu.memory_space<vmem_shared>>
    tpu.wait_dma2 semaphore(%arg30 : memref<!tpu.dma_semaphore, #tpu.memory_space<semaphore_mem>>) src(%arg16 : memref<40x128xf32, #tpu.memory_space<vmem>>) dst(%dma_wait3A_229 : memref<40x128xf32, #tpu.memory_space<vmem_shared>>)
    %add3A_230 = arith.constant 280 : i32
    %add3A_231 = arith.addi %mul3A_2, %add3A_230 : i32
    %dma_wait3A_232 = arith.constant 0 : i32
    %dma_wait3A_233 = tpu.memref_slice %arg17[%add3A_231, %dma_wait3A_232] : memref<10240x128xf32, #tpu.memory_space<vmem_shared>> -> memref<40x128xf32, #tpu.memory_space<vmem_shared>>
    %dma_wait3A_234 = arith.constant 0 : i32
    %dma_wait3A_235 = tpu.memref_slice %arg17[%add3A_231, %dma_wait3A_234] : memref<10240x128xf32, #tpu.memory_space<vmem_shared>> -> memref<40x128xf32, #tpu.memory_space<vmem_shared>>
    tpu.wait_dma2 semaphore(%arg30 : memref<!tpu.dma_semaphore, #tpu.memory_space<semaphore_mem>>) src(%arg16 : memref<40x128xf32, #tpu.memory_space<vmem>>) dst(%dma_wait3A_235 : memref<40x128xf32, #tpu.memory_space<vmem_shared>>)
    %add3A_236 = arith.constant 320 : i32
    %add3A_237 = arith.addi %mul3A_2, %add3A_236 : i32
    %dma_wait3A_238 = arith.constant 0 : i32
    %dma_wait3A_239 = tpu.memref_slice %arg17[%add3A_237, %dma_wait3A_238] : memref<10240x128xf32, #tpu.memory_space<vmem_shared>> -> memref<40x128xf32, #tpu.memory_space<vmem_shared>>
    %dma_wait3A_240 = arith.constant 0 : i32
    %dma_wait3A_241 = tpu.memref_slice %arg17[%add3A_237, %dma_wait3A_240] : memref<10240x128xf32, #tpu.memory_space<vmem_shared>> -> memref<40x128xf32, #tpu.memory_space<vmem_shared>>
    tpu.wait_dma2 semaphore(%arg30 : memref<!tpu.dma_semaphore, #tpu.memory_space<semaphore_mem>>) src(%arg16 : memref<40x128xf32, #tpu.memory_space<vmem>>) dst(%dma_wait3A_241 : memref<40x128xf32, #tpu.memory_space<vmem_shared>>)
    %add3A_242 = arith.constant 360 : i32
    %add3A_243 = arith.addi %mul3A_2, %add3A_242 : i32
    %dma_wait3A_244 = arith.constant 0 : i32
    %dma_wait3A_245 = tpu.memref_slice %arg17[%add3A_243, %dma_wait3A_244] : memref<10240x128xf32, #tpu.memory_space<vmem_shared>> -> memref<40x128xf32, #tpu.memory_space<vmem_shared>>
    %dma_wait3A_246 = arith.constant 0 : i32
    %dma_wait3A_247 = tpu.memref_slice %arg17[%add3A_243, %dma_wait3A_246] : memref<10240x128xf32, #tpu.memory_space<vmem_shared>> -> memref<40x128xf32, #tpu.memory_space<vmem_shared>>
    tpu.wait_dma2 semaphore(%arg30 : memref<!tpu.dma_semaphore, #tpu.memory_space<semaphore_mem>>) src(%arg16 : memref<40x128xf32, #tpu.memory_space<vmem>>) dst(%dma_wait3A_247 : memref<40x128xf32, #tpu.memory_space<vmem_shared>>)
    %add3A_248 = arith.constant 400 : i32
    %add3A_249 = arith.addi %mul3A_2, %add3A_248 : i32
    %dma_wait3A_250 = arith.constant 0 : i32
    %dma_wait3A_251 = tpu.memref_slice %arg17[%add3A_249, %dma_wait3A_250] : memref<10240x128xf32, #tpu.memory_space<vmem_shared>> -> memref<40x128xf32, #tpu.memory_space<vmem_shared>>
    %dma_wait3A_252 = arith.constant 0 : i32
    %dma_wait3A_253 = tpu.memref_slice %arg17[%add3A_249, %dma_wait3A_252] : memref<10240x128xf32, #tpu.memory_space<vmem_shared>> -> memref<40x128xf32, #tpu.memory_space<vmem_shared>>
    tpu.wait_dma2 semaphore(%arg30 : memref<!tpu.dma_semaphore, #tpu.memory_space<semaphore_mem>>) src(%arg16 : memref<40x128xf32, #tpu.memory_space<vmem>>) dst(%dma_wait3A_253 : memref<40x128xf32, #tpu.memory_space<vmem_shared>>)
    %add3A_254 = arith.constant 440 : i32
    %add3A_255 = arith.addi %mul3A_2, %add3A_254 : i32
    %dma_wait3A_256 = arith.constant 0 : i32
    %dma_wait3A_257 = tpu.memref_slice %arg17[%add3A_255, %dma_wait3A_256] : memref<10240x128xf32, #tpu.memory_space<vmem_shared>> -> memref<40x128xf32, #tpu.memory_space<vmem_shared>>
    %dma_wait3A_258 = arith.constant 0 : i32
    %dma_wait3A_259 = tpu.memref_slice %arg17[%add3A_255, %dma_wait3A_258] : memref<10240x128xf32, #tpu.memory_space<vmem_shared>> -> memref<40x128xf32, #tpu.memory_space<vmem_shared>>
    tpu.wait_dma2 semaphore(%arg30 : memref<!tpu.dma_semaphore, #tpu.memory_space<semaphore_mem>>) src(%arg16 : memref<40x128xf32, #tpu.memory_space<vmem>>) dst(%dma_wait3A_259 : memref<40x128xf32, #tpu.memory_space<vmem_shared>>)
    %add3A_260 = arith.constant 480 : i32
    %add3A_261 = arith.addi %mul3A_2, %add3A_260 : i32
    %dma_wait3A_262 = arith.constant 0 : i32
    %dma_wait3A_263 = tpu.memref_slice %arg17[%add3A_261, %dma_wait3A_262] : memref<10240x128xf32, #tpu.memory_space<vmem_shared>> -> memref<40x128xf32, #tpu.memory_space<vmem_shared>>
    %dma_wait3A_264 = arith.constant 0 : i32
    %dma_wait3A_265 = tpu.memref_slice %arg17[%add3A_261, %dma_wait3A_264] : memref<10240x128xf32, #tpu.memory_space<vmem_shared>> -> memref<40x128xf32, #tpu.memory_space<vmem_shared>>
    tpu.wait_dma2 semaphore(%arg30 : memref<!tpu.dma_semaphore, #tpu.memory_space<semaphore_mem>>) src(%arg16 : memref<40x128xf32, #tpu.memory_space<vmem>>) dst(%dma_wait3A_265 : memref<40x128xf32, #tpu.memory_space<vmem_shared>>)
    %add3A_266 = arith.constant 520 : i32
    %add3A_267 = arith.addi %mul3A_2, %add3A_266 : i32
    %dma_wait3A_268 = arith.constant 0 : i32
    %dma_wait3A_269 = tpu.memref_slice %arg17[%add3A_267, %dma_wait3A_268] : memref<10240x128xf32, #tpu.memory_space<vmem_shared>> -> memref<40x128xf32, #tpu.memory_space<vmem_shared>>
    %dma_wait3A_270 = arith.constant 0 : i32
    %dma_wait3A_271 = tpu.memref_slice %arg17[%add3A_267, %dma_wait3A_270] : memref<10240x128xf32, #tpu.memory_space<vmem_shared>> -> memref<40x128xf32, #tpu.memory_space<vmem_shared>>
    tpu.wait_dma2 semaphore(%arg30 : memref<!tpu.dma_semaphore, #tpu.memory_space<semaphore_mem>>) src(%arg16 : memref<40x128xf32, #tpu.memory_space<vmem>>) dst(%dma_wait3A_271 : memref<40x128xf32, #tpu.memory_space<vmem_shared>>)
    %add3A_272 = arith.constant 560 : i32
    %add3A_273 = arith.addi %mul3A_2, %add3A_272 : i32
    %dma_wait3A_274 = arith.constant 0 : i32
    %dma_wait3A_275 = tpu.memref_slice %arg17[%add3A_273, %dma_wait3A_274] : memref<10240x128xf32, #tpu.memory_space<vmem_shared>> -> memref<40x128xf32, #tpu.memory_space<vmem_shared>>
    %dma_wait3A_276 = arith.constant 0 : i32
    %dma_wait3A_277 = tpu.memref_slice %arg17[%add3A_273, %dma_wait3A_276] : memref<10240x128xf32, #tpu.memory_space<vmem_shared>> -> memref<40x128xf32, #tpu.memory_space<vmem_shared>>
    tpu.wait_dma2 semaphore(%arg30 : memref<!tpu.dma_semaphore, #tpu.memory_space<semaphore_mem>>) src(%arg16 : memref<40x128xf32, #tpu.memory_space<vmem>>) dst(%dma_wait3A_277 : memref<40x128xf32, #tpu.memory_space<vmem_shared>>)
    %add3A_278 = arith.constant 600 : i32
    %add3A_279 = arith.addi %mul3A_2, %add3A_278 : i32
    %dma_wait3A_280 = arith.constant 0 : i32
    %dma_wait3A_281 = tpu.memref_slice %arg17[%add3A_279, %dma_wait3A_280] : memref<10240x128xf32, #tpu.memory_space<vmem_shared>> -> memref<40x128xf32, #tpu.memory_space<vmem_shared>>
    %dma_wait3A_282 = arith.constant 0 : i32
    %dma_wait3A_283 = tpu.memref_slice %arg17[%add3A_279, %dma_wait3A_282] : memref<10240x128xf32, #tpu.memory_space<vmem_shared>> -> memref<40x128xf32, #tpu.memory_space<vmem_shared>>
    tpu.wait_dma2 semaphore(%arg30 : memref<!tpu.dma_semaphore, #tpu.memory_space<semaphore_mem>>) src(%arg16 : memref<40x128xf32, #tpu.memory_space<vmem>>) dst(%dma_wait3A_283 : memref<40x128xf32, #tpu.memory_space<vmem_shared>>)
    %barrier3A = arith.constant 0 : index
    tpu.barrier barrier_id(%barrier3A)
    %scan3A = arith.constant 0 : i32
    %scan3A_284 = arith.constant 0 : i32
    %scan3A_285 = arith.constant 11 : i32
    %scan3A_286 = arith.addi %scan3A_284, %scan3A_285 : i32
    %scan3A_287 = arith.constant 1 : i32
    scf.for %scan3A_290 = %scan3A_284 to %scan3A_286 step %scan3A_287  : i32 {
      %mul3A_291 = arith.constant 8 : i32
      %mul3A_292 = arith.muli %scan3A_290, %mul3A_291 : i32
      %add3A_293 = arith.constant 0 : i32
      %add3A_294 = arith.addi %mul3A_292, %add3A_293 : i32
      %ge3A = arith.constant 1 : i32
      %ge3A_295 = arith.cmpi sge, %add3A_294, %ge3A : i32
      %sub3A = arith.constant 1 : i32
      %sub3A_296 = arith.subi %add3A_294, %sub3A : i32
      %mul3A_297 = arith.constant 32 : i32
      %mul3A_298 = arith.muli %sub3A_296, %mul3A_297 : i32
      %add3A_299 = arith.addi %mul3A_298, %add3A : i32
      %lt3A = arith.constant 2500 : i32
      %lt3A_300 = arith.cmpi slt, %add3A_299, %lt3A : i32
      %and3A = arith.andi %ge3A_295, %lt3A_300 : i1
      %convert_element_type3A = arith.extui %and3A : i1 to i32
      %cond3A = arith.constant 0 : i32
      %cond3A_301 = arith.cmpi ne, %convert_element_type3A, %cond3A : i32
      scf.if %cond3A_301 {
        %dma_wait3A_645 = arith.constant 1 : i32
        %dma_wait3A_646 = arith.constant 0 : i32
        %dma_wait3A_647 = tpu.memref_slice %arg13[%dma_wait3A_645, %dma_wait3A_646] : memref<2x128xi32, #tpu.memory_space<vmem>> -> memref<1x128xi32, #tpu.memory_space<vmem>>
        %dma_wait3A_648 = tpu.memref_squeeze %dma_wait3A_647 : memref<1x128xi32, #tpu.memory_space<vmem>> -> memref<128xi32, #tpu.memory_space<vmem>>
        %dma_wait3A_649 = arith.constant 0 : i32
        %dma_wait3A_650 = arith.constant 0 : i32
        %dma_wait3A_651 = tpu.memref_slice %arg17[%dma_wait3A_649, %dma_wait3A_650] : memref<10240x128xf32, #tpu.memory_space<vmem_shared>> -> memref<10240x128xf32, #tpu.memory_space<vmem_shared>>
        tpu.wait_indirect_dma semaphore(%arg29 : memref<!tpu.dma_semaphore, #tpu.memory_space<semaphore_mem>>) src(%arg15 : memref<128x128xf32, #tpu.memory_space<vmem>>) dst(%dma_wait3A_651 : memref<10240x128xf32, #tpu.memory_space<vmem_shared>>)
      } else {
      }
      %add3A_302 = arith.constant 1 : i32
      %add3A_303 = arith.addi %add3A_294, %add3A_302 : i32
      %mul3A_304 = arith.constant 32 : i32
      %mul3A_305 = arith.muli %add3A_303, %mul3A_304 : i32
      %add3A_306 = arith.addi %mul3A_305, %add3A : i32
      %lt3A_307 = arith.constant 2500 : i32
      %lt3A_308 = arith.cmpi slt, %add3A_306, %lt3A_307 : i32
      %convert_element_type3A_309 = arith.extui %lt3A_308 : i1 to i32
      %cond3A_310 = arith.constant 0 : i32
      %cond3A_311 = arith.cmpi ne, %convert_element_type3A_309, %cond3A_310 : i32
      scf.if %cond3A_311 {
        %add3A_645 = arith.constant 1 : i32
        %add3A_646 = arith.addi %add3A_294, %add3A_645 : i32
        %mul3A_647 = arith.constant 32 : i32
        %mul3A_648 = arith.muli %add3A_646, %mul3A_647 : i32
        %add3A_649 = arith.addi %mul3A_648, %add3A : i32
        %mul3A_650 = arith.constant 128 : i32
        %mul3A_651 = arith.muli %add3A_649, %mul3A_650 : i32
        %multiple_of3A_652 = tpu.assume_multiple %mul3A_651, 128 : i32
        %dma_wait3A_653 = arith.constant 0 : i32
        %dma_wait3A_654 = tpu.memref_slice %arg3[%dma_wait3A_653, %multiple_of3A_652] : memref<2x320000xi32, #tpu.memory_space<hbm>> -> memref<2x128xi32, #tpu.memory_space<hbm>>
        %dma_wait3A_655 = arith.constant 0 : i32
        %dma_wait3A_656 = tpu.memref_slice %arg3[%dma_wait3A_655, %multiple_of3A_652] : memref<2x320000xi32, #tpu.memory_space<hbm>> -> memref<2x128xi32, #tpu.memory_space<hbm>>
        tpu.wait_dma2 semaphore(%arg19 : memref<!tpu.dma_semaphore, #tpu.memory_space<semaphore_mem>>) src(%dma_wait3A_656 : memref<2x128xi32, #tpu.memory_space<hbm>>) dst(%arg7 : memref<2x128xi32, #tpu.memory_space<vmem>>)
        %dma_start3A_657 = arith.constant 0 : i32
        %dma_start3A_658 = arith.constant 0 : i32
        %dma_start3A_659 = arith.constant 0 : i32
        %dma_start3A_660 = tpu.memref_slice %arg15[%dma_start3A_658, %dma_start3A_659] : memref<128x128xf32, #tpu.memory_space<vmem>> -> memref<64x128xf32, #tpu.memory_space<vmem>>
        %dma_start3A_661 = arith.constant 0 : i32
        %dma_start3A_662 = tpu.memref_slice %arg7[%dma_start3A_657, %dma_start3A_661] : memref<2x128xi32, #tpu.memory_space<vmem>> -> memref<1x64xi32, #tpu.memory_space<vmem>>
        %dma_start3A_663 = tpu.memref_squeeze %dma_start3A_662 : memref<1x64xi32, #tpu.memory_space<vmem>> -> memref<64xi32, #tpu.memory_space<vmem>>
        %dma_start3A_664 = arith.constant 0 : i32
        %dma_start3A_665 = arith.constant 0 : i32
        %dma_start3A_666 = tpu.memref_slice %arg2[%dma_start3A_664, %dma_start3A_665] : memref<10000x128xf32, #tpu.memory_space<hbm>> -> memref<10000x128xf32, #tpu.memory_space<hbm>>
        tpu.enqueue_indirect_dma source(%dma_start3A_666 : memref<10000x128xf32, #tpu.memory_space<hbm>>) target(%dma_start3A_660 : memref<64x128xf32, #tpu.memory_space<vmem>>) offsets(%dma_start3A_663 : memref<64xi32, #tpu.memory_space<vmem>>) semaphore(%arg27 : memref<!tpu.dma_semaphore, #tpu.memory_space<semaphore_mem>>)
        %dma_start3A_667 = arith.constant 0 : i32
        %dma_start3A_668 = arith.constant 64 : i32
        %dma_start3A_669 = arith.constant 0 : i32
        %dma_start3A_670 = tpu.memref_slice %arg15[%dma_start3A_668, %dma_start3A_669] : memref<128x128xf32, #tpu.memory_space<vmem>> -> memref<64x128xf32, #tpu.memory_space<vmem>>
        %dma_start3A_671 = arith.constant 64 : i32
        %dma_start3A_672 = tpu.memref_slice %arg7[%dma_start3A_667, %dma_start3A_671] : memref<2x128xi32, #tpu.memory_space<vmem>> -> memref<1x64xi32, #tpu.memory_space<vmem>>
        %dma_start3A_673 = tpu.memref_squeeze %dma_start3A_672 : memref<1x64xi32, #tpu.memory_space<vmem>> -> memref<64xi32, #tpu.memory_space<vmem>>
        %dma_start3A_674 = arith.constant 0 : i32
        %dma_start3A_675 = arith.constant 0 : i32
        %dma_start3A_676 = tpu.memref_slice %arg2[%dma_start3A_674, %dma_start3A_675] : memref<10000x128xf32, #tpu.memory_space<hbm>> -> memref<10000x128xf32, #tpu.memory_space<hbm>>
        tpu.enqueue_indirect_dma source(%dma_start3A_676 : memref<10000x128xf32, #tpu.memory_space<hbm>>) target(%dma_start3A_670 : memref<64x128xf32, #tpu.memory_space<vmem>>) offsets(%dma_start3A_673 : memref<64xi32, #tpu.memory_space<vmem>>) semaphore(%arg27 : memref<!tpu.dma_semaphore, #tpu.memory_space<semaphore_mem>>)
      } else {
      }
      %mul3A_312 = arith.constant 32 : i32
      %mul3A_313 = arith.muli %add3A_294, %mul3A_312 : i32
      %add3A_314 = arith.addi %mul3A_313, %add3A : i32
      %lt3A_315 = arith.constant 2500 : i32
      %lt3A_316 = arith.cmpi slt, %add3A_314, %lt3A_315 : i32
      %convert_element_type3A_317 = arith.extui %lt3A_316 : i1 to i32
      %cond3A_318 = arith.constant 0 : i32
      %cond3A_319 = arith.cmpi ne, %convert_element_type3A_317, %cond3A_318 : i32
      scf.if %cond3A_319 {
        %dma_wait3A_645 = arith.constant 0 : i32
        %dma_wait3A_646 = arith.constant 0 : i32
        %dma_wait3A_647 = arith.constant 0 : i32
        %dma_wait3A_648 = tpu.memref_slice %arg14[%dma_wait3A_646, %dma_wait3A_647] : memref<128x128xf32, #tpu.memory_space<vmem>> -> memref<64x128xf32, #tpu.memory_space<vmem>>
        %dma_wait3A_649 = arith.constant 0 : i32
        %dma_wait3A_650 = tpu.memref_slice %arg6[%dma_wait3A_645, %dma_wait3A_649] : memref<2x128xi32, #tpu.memory_space<vmem>> -> memref<1x64xi32, #tpu.memory_space<vmem>>
        %dma_wait3A_651 = tpu.memref_squeeze %dma_wait3A_650 : memref<1x64xi32, #tpu.memory_space<vmem>> -> memref<64xi32, #tpu.memory_space<vmem>>
        %dma_wait3A_652 = arith.constant 0 : i32
        %dma_wait3A_653 = arith.constant 0 : i32
        %dma_wait3A_654 = tpu.memref_slice %arg2[%dma_wait3A_652, %dma_wait3A_653] : memref<10000x128xf32, #tpu.memory_space<hbm>> -> memref<10000x128xf32, #tpu.memory_space<hbm>>
        tpu.wait_indirect_dma semaphore(%arg26 : memref<!tpu.dma_semaphore, #tpu.memory_space<semaphore_mem>>) src(%dma_wait3A_654 : memref<10000x128xf32, #tpu.memory_space<hbm>>) dst(%dma_wait3A_648 : memref<64x128xf32, #tpu.memory_space<vmem>>)
        %dma_wait3A_655 = arith.constant 0 : i32
        %dma_wait3A_656 = arith.constant 64 : i32
        %dma_wait3A_657 = arith.constant 0 : i32
        %dma_wait3A_658 = tpu.memref_slice %arg14[%dma_wait3A_656, %dma_wait3A_657] : memref<128x128xf32, #tpu.memory_space<vmem>> -> memref<64x128xf32, #tpu.memory_space<vmem>>
        %dma_wait3A_659 = arith.constant 64 : i32
        %dma_wait3A_660 = tpu.memref_slice %arg6[%dma_wait3A_655, %dma_wait3A_659] : memref<2x128xi32, #tpu.memory_space<vmem>> -> memref<1x64xi32, #tpu.memory_space<vmem>>
        %dma_wait3A_661 = tpu.memref_squeeze %dma_wait3A_660 : memref<1x64xi32, #tpu.memory_space<vmem>> -> memref<64xi32, #tpu.memory_space<vmem>>
        %dma_wait3A_662 = arith.constant 0 : i32
        %dma_wait3A_663 = arith.constant 0 : i32
        %dma_wait3A_664 = tpu.memref_slice %arg2[%dma_wait3A_662, %dma_wait3A_663] : memref<10000x128xf32, #tpu.memory_space<hbm>> -> memref<10000x128xf32, #tpu.memory_space<hbm>>
        tpu.wait_indirect_dma semaphore(%arg26 : memref<!tpu.dma_semaphore, #tpu.memory_space<semaphore_mem>>) src(%dma_wait3A_664 : memref<10000x128xf32, #tpu.memory_space<hbm>>) dst(%dma_wait3A_658 : memref<64x128xf32, #tpu.memory_space<vmem>>)
        %dma_start3A_665 = arith.constant 1 : i32
        %dma_start3A_666 = arith.constant 0 : i32
        %dma_start3A_667 = tpu.memref_slice %arg6[%dma_start3A_665, %dma_start3A_666] : memref<2x128xi32, #tpu.memory_space<vmem>> -> memref<1x128xi32, #tpu.memory_space<vmem>>
        %dma_start3A_668 = tpu.memref_squeeze %dma_start3A_667 : memref<1x128xi32, #tpu.memory_space<vmem>> -> memref<128xi32, #tpu.memory_space<vmem>>
        %dma_start3A_669 = arith.constant 0 : i32
        %dma_start3A_670 = arith.constant 0 : i32
        %dma_start3A_671 = tpu.memref_slice %arg17[%dma_start3A_669, %dma_start3A_670] : memref<10240x128xf32, #tpu.memory_space<vmem_shared>> -> memref<10240x128xf32, #tpu.memory_space<vmem_shared>>
        tpu.enqueue_indirect_dma source(%arg14 : memref<128x128xf32, #tpu.memory_space<vmem>>) target(%dma_start3A_671 : memref<10240x128xf32, #tpu.memory_space<vmem_shared>>) offsets(%dma_start3A_668 : memref<128xi32, #tpu.memory_space<vmem>>) semaphore(%arg28 : memref<!tpu.dma_semaphore, #tpu.memory_space<semaphore_mem>>) {add = true}
      } else {
      }
      %add3A_320 = arith.constant 7 : i32
      %add3A_321 = arith.addi %add3A_294, %add3A_320 : i32
      %mul3A_322 = arith.constant 32 : i32
      %mul3A_323 = arith.muli %add3A_321, %mul3A_322 : i32
      %add3A_324 = arith.addi %mul3A_323, %add3A : i32
      %lt3A_325 = arith.constant 2500 : i32
      %lt3A_326 = arith.cmpi slt, %add3A_324, %lt3A_325 : i32
      %convert_element_type3A_327 = arith.extui %lt3A_326 : i1 to i32
      %cond3A_328 = arith.constant 0 : i32
      %cond3A_329 = arith.cmpi ne, %convert_element_type3A_327, %cond3A_328 : i32
      scf.if %cond3A_329 {
        %add3A_645 = arith.constant 7 : i32
        %add3A_646 = arith.addi %add3A_294, %add3A_645 : i32
        %mul3A_647 = arith.constant 32 : i32
        %mul3A_648 = arith.muli %add3A_646, %mul3A_647 : i32
        %add3A_649 = arith.addi %mul3A_648, %add3A : i32
        %mul3A_650 = arith.constant 128 : i32
        %mul3A_651 = arith.muli %add3A_649, %mul3A_650 : i32
        %multiple_of3A_652 = tpu.assume_multiple %mul3A_651, 128 : i32
        %dma_start3A_653 = arith.constant 0 : i32
        %dma_start3A_654 = tpu.memref_slice %arg3[%dma_start3A_653, %multiple_of3A_652] : memref<2x320000xi32, #tpu.memory_space<hbm>> -> memref<2x128xi32, #tpu.memory_space<hbm>>
        %dma_start3A_655 = arith.constant 0 : i32
        %dma_start3A_656 = tpu.memref_slice %arg3[%dma_start3A_655, %multiple_of3A_652] : memref<2x320000xi32, #tpu.memory_space<hbm>> -> memref<2x128xi32, #tpu.memory_space<hbm>>
        tpu.enqueue_dma source(%dma_start3A_656 : memref<2x128xi32, #tpu.memory_space<hbm>>) target(%arg13 : memref<2x128xi32, #tpu.memory_space<vmem>>) target_semaphore(%arg25 : memref<!tpu.dma_semaphore, #tpu.memory_space<semaphore_mem>>)
      } else {
      }
      %mul3A_330 = arith.constant 8 : i32
      %mul3A_331 = arith.muli %scan3A_290, %mul3A_330 : i32
      %add3A_332 = arith.constant 1 : i32
      %add3A_333 = arith.addi %mul3A_331, %add3A_332 : i32
      %ge3A_334 = arith.constant 1 : i32
      %ge3A_335 = arith.cmpi sge, %add3A_333, %ge3A_334 : i32
      %sub3A_336 = arith.constant 1 : i32
      %sub3A_337 = arith.subi %add3A_333, %sub3A_336 : i32
      %mul3A_338 = arith.constant 32 : i32
      %mul3A_339 = arith.muli %sub3A_337, %mul3A_338 : i32
      %add3A_340 = arith.addi %mul3A_339, %add3A : i32
      %lt3A_341 = arith.constant 2500 : i32
      %lt3A_342 = arith.cmpi slt, %add3A_340, %lt3A_341 : i32
      %and3A_343 = arith.andi %ge3A_335, %lt3A_342 : i1
      %convert_element_type3A_344 = arith.extui %and3A_343 : i1 to i32
      %cond3A_345 = arith.constant 0 : i32
      %cond3A_346 = arith.cmpi ne, %convert_element_type3A_344, %cond3A_345 : i32
      scf.if %cond3A_346 {
        %dma_wait3A_645 = arith.constant 1 : i32
        %dma_wait3A_646 = arith.constant 0 : i32
        %dma_wait3A_647 = tpu.memref_slice %arg6[%dma_wait3A_645, %dma_wait3A_646] : memref<2x128xi32, #tpu.memory_space<vmem>> -> memref<1x128xi32, #tpu.memory_space<vmem>>
        %dma_wait3A_648 = tpu.memref_squeeze %dma_wait3A_647 : memref<1x128xi32, #tpu.memory_space<vmem>> -> memref<128xi32, #tpu.memory_space<vmem>>
        %dma_wait3A_649 = arith.constant 0 : i32
        %dma_wait3A_650 = arith.constant 0 : i32
        %dma_wait3A_651 = tpu.memref_slice %arg17[%dma_wait3A_649, %dma_wait3A_650] : memref<10240x128xf32, #tpu.memory_space<vmem_shared>> -> memref<10240x128xf32, #tpu.memory_space<vmem_shared>>
        tpu.wait_indirect_dma semaphore(%arg28 : memref<!tpu.dma_semaphore, #tpu.memory_space<semaphore_mem>>) src(%arg14 : memref<128x128xf32, #tpu.memory_space<vmem>>) dst(%dma_wait3A_651 : memref<10240x128xf32, #tpu.memory_space<vmem_shared>>)
      } else {
      }
      %add3A_347 = arith.constant 1 : i32
      %add3A_348 = arith.addi %add3A_333, %add3A_347 : i32
      %mul3A_349 = arith.constant 32 : i32
      %mul3A_350 = arith.muli %add3A_348, %mul3A_349 : i32
      %add3A_351 = arith.addi %mul3A_350, %add3A : i32
      %lt3A_352 = arith.constant 2500 : i32
      %lt3A_353 = arith.cmpi slt, %add3A_351, %lt3A_352 : i32
      %convert_element_type3A_354 = arith.extui %lt3A_353 : i1 to i32
      %cond3A_355 = arith.constant 0 : i32
      %cond3A_356 = arith.cmpi ne, %convert_element_type3A_354, %cond3A_355 : i32
      scf.if %cond3A_356 {
        %add3A_645 = arith.constant 1 : i32
        %add3A_646 = arith.addi %add3A_333, %add3A_645 : i32
        %mul3A_647 = arith.constant 32 : i32
        %mul3A_648 = arith.muli %add3A_646, %mul3A_647 : i32
        %add3A_649 = arith.addi %mul3A_648, %add3A : i32
        %mul3A_650 = arith.constant 128 : i32
        %mul3A_651 = arith.muli %add3A_649, %mul3A_650 : i32
        %multiple_of3A_652 = tpu.assume_multiple %mul3A_651, 128 : i32
        %dma_wait3A_653 = arith.constant 0 : i32
        %dma_wait3A_654 = tpu.memref_slice %arg3[%dma_wait3A_653, %multiple_of3A_652] : memref<2x320000xi32, #tpu.memory_space<hbm>> -> memref<2x128xi32, #tpu.memory_space<hbm>>
        %dma_wait3A_655 = arith.constant 0 : i32
        %dma_wait3A_656 = tpu.memref_slice %arg3[%dma_wait3A_655, %multiple_of3A_652] : memref<2x320000xi32, #tpu.memory_space<hbm>> -> memref<2x128xi32, #tpu.memory_space<hbm>>
        tpu.wait_dma2 semaphore(%arg20 : memref<!tpu.dma_semaphore, #tpu.memory_space<semaphore_mem>>) src(%dma_wait3A_656 : memref<2x128xi32, #tpu.memory_space<hbm>>) dst(%arg8 : memref<2x128xi32, #tpu.memory_space<vmem>>)
        %dma_start3A_657 = arith.constant 0 : i32
        %dma_start3A_658 = arith.constant 0 : i32
        %dma_start3A_659 = arith.constant 0 : i32
        %dma_start3A_660 = tpu.memref_slice %arg14[%dma_start3A_658, %dma_start3A_659] : memref<128x128xf32, #tpu.memory_space<vmem>> -> memref<64x128xf32, #tpu.memory_space<vmem>>
        %dma_start3A_661 = arith.constant 0 : i32
        %dma_start3A_662 = tpu.memref_slice %arg8[%dma_start3A_657, %dma_start3A_661] : memref<2x128xi32, #tpu.memory_space<vmem>> -> memref<1x64xi32, #tpu.memory_space<vmem>>
        %dma_start3A_663 = tpu.memref_squeeze %dma_start3A_662 : memref<1x64xi32, #tpu.memory_space<vmem>> -> memref<64xi32, #tpu.memory_space<vmem>>
        %dma_start3A_664 = arith.constant 0 : i32
        %dma_start3A_665 = arith.constant 0 : i32
        %dma_start3A_666 = tpu.memref_slice %arg2[%dma_start3A_664, %dma_start3A_665] : memref<10000x128xf32, #tpu.memory_space<hbm>> -> memref<10000x128xf32, #tpu.memory_space<hbm>>
        tpu.enqueue_indirect_dma source(%dma_start3A_666 : memref<10000x128xf32, #tpu.memory_space<hbm>>) target(%dma_start3A_660 : memref<64x128xf32, #tpu.memory_space<vmem>>) offsets(%dma_start3A_663 : memref<64xi32, #tpu.memory_space<vmem>>) semaphore(%arg26 : memref<!tpu.dma_semaphore, #tpu.memory_space<semaphore_mem>>)
        %dma_start3A_667 = arith.constant 0 : i32
        %dma_start3A_668 = arith.constant 64 : i32
        %dma_start3A_669 = arith.constant 0 : i32
        %dma_start3A_670 = tpu.memref_slice %arg14[%dma_start3A_668, %dma_start3A_669] : memref<128x128xf32, #tpu.memory_space<vmem>> -> memref<64x128xf32, #tpu.memory_space<vmem>>
        %dma_start3A_671 = arith.constant 64 : i32
        %dma_start3A_672 = tpu.memref_slice %arg8[%dma_start3A_667, %dma_start3A_671] : memref<2x128xi32, #tpu.memory_space<vmem>> -> memref<1x64xi32, #tpu.memory_space<vmem>>
        %dma_start3A_673 = tpu.memref_squeeze %dma_start3A_672 : memref<1x64xi32, #tpu.memory_space<vmem>> -> memref<64xi32, #tpu.memory_space<vmem>>
        %dma_start3A_674 = arith.constant 0 : i32
        %dma_start3A_675 = arith.constant 0 : i32
        %dma_start3A_676 = tpu.memref_slice %arg2[%dma_start3A_674, %dma_start3A_675] : memref<10000x128xf32, #tpu.memory_space<hbm>> -> memref<10000x128xf32, #tpu.memory_space<hbm>>
        tpu.enqueue_indirect_dma source(%dma_start3A_676 : memref<10000x128xf32, #tpu.memory_space<hbm>>) target(%dma_start3A_670 : memref<64x128xf32, #tpu.memory_space<vmem>>) offsets(%dma_start3A_673 : memref<64xi32, #tpu.memory_space<vmem>>) semaphore(%arg26 : memref<!tpu.dma_semaphore, #tpu.memory_space<semaphore_mem>>)
      } else {
      }
      %mul3A_357 = arith.constant 32 : i32
      %mul3A_358 = arith.muli %add3A_333, %mul3A_357 : i32
      %add3A_359 = arith.addi %mul3A_358, %add3A : i32
      %lt3A_360 = arith.constant 2500 : i32
      %lt3A_361 = arith.cmpi slt, %add3A_359, %lt3A_360 : i32
      %convert_element_type3A_362 = arith.extui %lt3A_361 : i1 to i32
      %cond3A_363 = arith.constant 0 : i32
      %cond3A_364 = arith.cmpi ne, %convert_element_type3A_362, %cond3A_363 : i32
      scf.if %cond3A_364 {
        %dma_wait3A_645 = arith.constant 0 : i32
        %dma_wait3A_646 = arith.constant 0 : i32
        %dma_wait3A_647 = arith.constant 0 : i32
        %dma_wait3A_648 = tpu.memref_slice %arg15[%dma_wait3A_646, %dma_wait3A_647] : memref<128x128xf32, #tpu.memory_space<vmem>> -> memref<64x128xf32, #tpu.memory_space<vmem>>
        %dma_wait3A_649 = arith.constant 0 : i32
        %dma_wait3A_650 = tpu.memref_slice %arg7[%dma_wait3A_645, %dma_wait3A_649] : memref<2x128xi32, #tpu.memory_space<vmem>> -> memref<1x64xi32, #tpu.memory_space<vmem>>
        %dma_wait3A_651 = tpu.memref_squeeze %dma_wait3A_650 : memref<1x64xi32, #tpu.memory_space<vmem>> -> memref<64xi32, #tpu.memory_space<vmem>>
        %dma_wait3A_652 = arith.constant 0 : i32
        %dma_wait3A_653 = arith.constant 0 : i32
        %dma_wait3A_654 = tpu.memref_slice %arg2[%dma_wait3A_652, %dma_wait3A_653] : memref<10000x128xf32, #tpu.memory_space<hbm>> -> memref<10000x128xf32, #tpu.memory_space<hbm>>
        tpu.wait_indirect_dma semaphore(%arg27 : memref<!tpu.dma_semaphore, #tpu.memory_space<semaphore_mem>>) src(%dma_wait3A_654 : memref<10000x128xf32, #tpu.memory_space<hbm>>) dst(%dma_wait3A_648 : memref<64x128xf32, #tpu.memory_space<vmem>>)
        %dma_wait3A_655 = arith.constant 0 : i32
        %dma_wait3A_656 = arith.constant 64 : i32
        %dma_wait3A_657 = arith.constant 0 : i32
        %dma_wait3A_658 = tpu.memref_slice %arg15[%dma_wait3A_656, %dma_wait3A_657] : memref<128x128xf32, #tpu.memory_space<vmem>> -> memref<64x128xf32, #tpu.memory_space<vmem>>
        %dma_wait3A_659 = arith.constant 64 : i32
        %dma_wait3A_660 = tpu.memref_slice %arg7[%dma_wait3A_655, %dma_wait3A_659] : memref<2x128xi32, #tpu.memory_space<vmem>> -> memref<1x64xi32, #tpu.memory_space<vmem>>
        %dma_wait3A_661 = tpu.memref_squeeze %dma_wait3A_660 : memref<1x64xi32, #tpu.memory_space<vmem>> -> memref<64xi32, #tpu.memory_space<vmem>>
        %dma_wait3A_662 = arith.constant 0 : i32
        %dma_wait3A_663 = arith.constant 0 : i32
        %dma_wait3A_664 = tpu.memref_slice %arg2[%dma_wait3A_662, %dma_wait3A_663] : memref<10000x128xf32, #tpu.memory_space<hbm>> -> memref<10000x128xf32, #tpu.memory_space<hbm>>
        tpu.wait_indirect_dma semaphore(%arg27 : memref<!tpu.dma_semaphore, #tpu.memory_space<semaphore_mem>>) src(%dma_wait3A_664 : memref<10000x128xf32, #tpu.memory_space<hbm>>) dst(%dma_wait3A_658 : memref<64x128xf32, #tpu.memory_space<vmem>>)
        %dma_start3A_665 = arith.constant 1 : i32
        %dma_start3A_666 = arith.constant 0 : i32
        %dma_start3A_667 = tpu.memref_slice %arg7[%dma_start3A_665, %dma_start3A_666] : memref<2x128xi32, #tpu.memory_space<vmem>> -> memref<1x128xi32, #tpu.memory_space<vmem>>
        %dma_start3A_668 = tpu.memref_squeeze %dma_start3A_667 : memref<1x128xi32, #tpu.memory_space<vmem>> -> memref<128xi32, #tpu.memory_space<vmem>>
        %dma_start3A_669 = arith.constant 0 : i32
        %dma_start3A_670 = arith.constant 0 : i32
        %dma_start3A_671 = tpu.memref_slice %arg17[%dma_start3A_669, %dma_start3A_670] : memref<10240x128xf32, #tpu.memory_space<vmem_shared>> -> memref<10240x128xf32, #tpu.memory_space<vmem_shared>>
        tpu.enqueue_indirect_dma source(%arg15 : memref<128x128xf32, #tpu.memory_space<vmem>>) target(%dma_start3A_671 : memref<10240x128xf32, #tpu.memory_space<vmem_shared>>) offsets(%dma_start3A_668 : memref<128xi32, #tpu.memory_space<vmem>>) semaphore(%arg29 : memref<!tpu.dma_semaphore, #tpu.memory_space<semaphore_mem>>) {add = true}
      } else {
      }
      %add3A_365 = arith.constant 7 : i32
      %add3A_366 = arith.addi %add3A_333, %add3A_365 : i32
      %mul3A_367 = arith.constant 32 : i32
      %mul3A_368 = arith.muli %add3A_366, %mul3A_367 : i32
      %add3A_369 = arith.addi %mul3A_368, %add3A : i32
      %lt3A_370 = arith.constant 2500 : i32
      %lt3A_371 = arith.cmpi slt, %add3A_369, %lt3A_370 : i32
      %convert_element_type3A_372 = arith.extui %lt3A_371 : i1 to i32
      %cond3A_373 = arith.constant 0 : i32
      %cond3A_374 = arith.cmpi ne, %convert_element_type3A_372, %cond3A_373 : i32
      scf.if %cond3A_374 {
        %add3A_645 = arith.constant 7 : i32
        %add3A_646 = arith.addi %add3A_333, %add3A_645 : i32
        %mul3A_647 = arith.constant 32 : i32
        %mul3A_648 = arith.muli %add3A_646, %mul3A_647 : i32
        %add3A_649 = arith.addi %mul3A_648, %add3A : i32
        %mul3A_650 = arith.constant 128 : i32
        %mul3A_651 = arith.muli %add3A_649, %mul3A_650 : i32
        %multiple_of3A_652 = tpu.assume_multiple %mul3A_651, 128 : i32
        %dma_start3A_653 = arith.constant 0 : i32
        %dma_start3A_654 = tpu.memref_slice %arg3[%dma_start3A_653, %multiple_of3A_652] : memref<2x320000xi32, #tpu.memory_space<hbm>> -> memref<2x128xi32, #tpu.memory_space<hbm>>
        %dma_start3A_655 = arith.constant 0 : i32
        %dma_start3A_656 = tpu.memref_slice %arg3[%dma_start3A_655, %multiple_of3A_652] : memref<2x320000xi32, #tpu.memory_space<hbm>> -> memref<2x128xi32, #tpu.memory_space<hbm>>
        tpu.enqueue_dma source(%dma_start3A_656 : memref<2x128xi32, #tpu.memory_space<hbm>>) target(%arg6 : memref<2x128xi32, #tpu.memory_space<vmem>>) target_semaphore(%arg18 : memref<!tpu.dma_semaphore, #tpu.memory_space<semaphore_mem>>)
      } else {
      }
      %mul3A_375 = arith.constant 8 : i32
      %mul3A_376 = arith.muli %scan3A_290, %mul3A_375 : i32
      %add3A_377 = arith.constant 2 : i32
      %add3A_378 = arith.addi %mul3A_376, %add3A_377 : i32
      %ge3A_379 = arith.constant 1 : i32
      %ge3A_380 = arith.cmpi sge, %add3A_378, %ge3A_379 : i32
      %sub3A_381 = arith.constant 1 : i32
      %sub3A_382 = arith.subi %add3A_378, %sub3A_381 : i32
      %mul3A_383 = arith.constant 32 : i32
      %mul3A_384 = arith.muli %sub3A_382, %mul3A_383 : i32
      %add3A_385 = arith.addi %mul3A_384, %add3A : i32
      %lt3A_386 = arith.constant 2500 : i32
      %lt3A_387 = arith.cmpi slt, %add3A_385, %lt3A_386 : i32
      %and3A_388 = arith.andi %ge3A_380, %lt3A_387 : i1
      %convert_element_type3A_389 = arith.extui %and3A_388 : i1 to i32
      %cond3A_390 = arith.constant 0 : i32
      %cond3A_391 = arith.cmpi ne, %convert_element_type3A_389, %cond3A_390 : i32
      scf.if %cond3A_391 {
        %dma_wait3A_645 = arith.constant 1 : i32
        %dma_wait3A_646 = arith.constant 0 : i32
        %dma_wait3A_647 = tpu.memref_slice %arg7[%dma_wait3A_645, %dma_wait3A_646] : memref<2x128xi32, #tpu.memory_space<vmem>> -> memref<1x128xi32, #tpu.memory_space<vmem>>
        %dma_wait3A_648 = tpu.memref_squeeze %dma_wait3A_647 : memref<1x128xi32, #tpu.memory_space<vmem>> -> memref<128xi32, #tpu.memory_space<vmem>>
        %dma_wait3A_649 = arith.constant 0 : i32
        %dma_wait3A_650 = arith.constant 0 : i32
        %dma_wait3A_651 = tpu.memref_slice %arg17[%dma_wait3A_649, %dma_wait3A_650] : memref<10240x128xf32, #tpu.memory_space<vmem_shared>> -> memref<10240x128xf32, #tpu.memory_space<vmem_shared>>
        tpu.wait_indirect_dma semaphore(%arg29 : memref<!tpu.dma_semaphore, #tpu.memory_space<semaphore_mem>>) src(%arg15 : memref<128x128xf32, #tpu.memory_space<vmem>>) dst(%dma_wait3A_651 : memref<10240x128xf32, #tpu.memory_space<vmem_shared>>)
      } else {
      }
      %add3A_392 = arith.constant 1 : i32
      %add3A_393 = arith.addi %add3A_378, %add3A_392 : i32
      %mul3A_394 = arith.constant 32 : i32
      %mul3A_395 = arith.muli %add3A_393, %mul3A_394 : i32
      %add3A_396 = arith.addi %mul3A_395, %add3A : i32
      %lt3A_397 = arith.constant 2500 : i32
      %lt3A_398 = arith.cmpi slt, %add3A_396, %lt3A_397 : i32
      %convert_element_type3A_399 = arith.extui %lt3A_398 : i1 to i32
      %cond3A_400 = arith.constant 0 : i32
      %cond3A_401 = arith.cmpi ne, %convert_element_type3A_399, %cond3A_400 : i32
      scf.if %cond3A_401 {
        %add3A_645 = arith.constant 1 : i32
        %add3A_646 = arith.addi %add3A_378, %add3A_645 : i32
        %mul3A_647 = arith.constant 32 : i32
        %mul3A_648 = arith.muli %add3A_646, %mul3A_647 : i32
        %add3A_649 = arith.addi %mul3A_648, %add3A : i32
        %mul3A_650 = arith.constant 128 : i32
        %mul3A_651 = arith.muli %add3A_649, %mul3A_650 : i32
        %multiple_of3A_652 = tpu.assume_multiple %mul3A_651, 128 : i32
        %dma_wait3A_653 = arith.constant 0 : i32
        %dma_wait3A_654 = tpu.memref_slice %arg3[%dma_wait3A_653, %multiple_of3A_652] : memref<2x320000xi32, #tpu.memory_space<hbm>> -> memref<2x128xi32, #tpu.memory_space<hbm>>
        %dma_wait3A_655 = arith.constant 0 : i32
        %dma_wait3A_656 = tpu.memref_slice %arg3[%dma_wait3A_655, %multiple_of3A_652] : memref<2x320000xi32, #tpu.memory_space<hbm>> -> memref<2x128xi32, #tpu.memory_space<hbm>>
        tpu.wait_dma2 semaphore(%arg21 : memref<!tpu.dma_semaphore, #tpu.memory_space<semaphore_mem>>) src(%dma_wait3A_656 : memref<2x128xi32, #tpu.memory_space<hbm>>) dst(%arg9 : memref<2x128xi32, #tpu.memory_space<vmem>>)
        %dma_start3A_657 = arith.constant 0 : i32
        %dma_start3A_658 = arith.constant 0 : i32
        %dma_start3A_659 = arith.constant 0 : i32
        %dma_start3A_660 = tpu.memref_slice %arg15[%dma_start3A_658, %dma_start3A_659] : memref<128x128xf32, #tpu.memory_space<vmem>> -> memref<64x128xf32, #tpu.memory_space<vmem>>
        %dma_start3A_661 = arith.constant 0 : i32
        %dma_start3A_662 = tpu.memref_slice %arg9[%dma_start3A_657, %dma_start3A_661] : memref<2x128xi32, #tpu.memory_space<vmem>> -> memref<1x64xi32, #tpu.memory_space<vmem>>
        %dma_start3A_663 = tpu.memref_squeeze %dma_start3A_662 : memref<1x64xi32, #tpu.memory_space<vmem>> -> memref<64xi32, #tpu.memory_space<vmem>>
        %dma_start3A_664 = arith.constant 0 : i32
        %dma_start3A_665 = arith.constant 0 : i32
        %dma_start3A_666 = tpu.memref_slice %arg2[%dma_start3A_664, %dma_start3A_665] : memref<10000x128xf32, #tpu.memory_space<hbm>> -> memref<10000x128xf32, #tpu.memory_space<hbm>>
        tpu.enqueue_indirect_dma source(%dma_start3A_666 : memref<10000x128xf32, #tpu.memory_space<hbm>>) target(%dma_start3A_660 : memref<64x128xf32, #tpu.memory_space<vmem>>) offsets(%dma_start3A_663 : memref<64xi32, #tpu.memory_space<vmem>>) semaphore(%arg27 : memref<!tpu.dma_semaphore, #tpu.memory_space<semaphore_mem>>)
        %dma_start3A_667 = arith.constant 0 : i32
        %dma_start3A_668 = arith.constant 64 : i32
        %dma_start3A_669 = arith.constant 0 : i32
        %dma_start3A_670 = tpu.memref_slice %arg15[%dma_start3A_668, %dma_start3A_669] : memref<128x128xf32, #tpu.memory_space<vmem>> -> memref<64x128xf32, #tpu.memory_space<vmem>>
        %dma_start3A_671 = arith.constant 64 : i32
        %dma_start3A_672 = tpu.memref_slice %arg9[%dma_start3A_667, %dma_start3A_671] : memref<2x128xi32, #tpu.memory_space<vmem>> -> memref<1x64xi32, #tpu.memory_space<vmem>>
        %dma_start3A_673 = tpu.memref_squeeze %dma_start3A_672 : memref<1x64xi32, #tpu.memory_space<vmem>> -> memref<64xi32, #tpu.memory_space<vmem>>
        %dma_start3A_674 = arith.constant 0 : i32
        %dma_start3A_675 = arith.constant 0 : i32
        %dma_start3A_676 = tpu.memref_slice %arg2[%dma_start3A_674, %dma_start3A_675] : memref<10000x128xf32, #tpu.memory_space<hbm>> -> memref<10000x128xf32, #tpu.memory_space<hbm>>
        tpu.enqueue_indirect_dma source(%dma_start3A_676 : memref<10000x128xf32, #tpu.memory_space<hbm>>) target(%dma_start3A_670 : memref<64x128xf32, #tpu.memory_space<vmem>>) offsets(%dma_start3A_673 : memref<64xi32, #tpu.memory_space<vmem>>) semaphore(%arg27 : memref<!tpu.dma_semaphore, #tpu.memory_space<semaphore_mem>>)
      } else {
      }
      %mul3A_402 = arith.constant 32 : i32
      %mul3A_403 = arith.muli %add3A_378, %mul3A_402 : i32
      %add3A_404 = arith.addi %mul3A_403, %add3A : i32
      %lt3A_405 = arith.constant 2500 : i32
      %lt3A_406 = arith.cmpi slt, %add3A_404, %lt3A_405 : i32
      %convert_element_type3A_407 = arith.extui %lt3A_406 : i1 to i32
      %cond3A_408 = arith.constant 0 : i32
      %cond3A_409 = arith.cmpi ne, %convert_element_type3A_407, %cond3A_408 : i32
      scf.if %cond3A_409 {
        %dma_wait3A_645 = arith.constant 0 : i32
        %dma_wait3A_646 = arith.constant 0 : i32
        %dma_wait3A_647 = arith.constant 0 : i32
        %dma_wait3A_648 = tpu.memref_slice %arg14[%dma_wait3A_646, %dma_wait3A_647] : memref<128x128xf32, #tpu.memory_space<vmem>> -> memref<64x128xf32, #tpu.memory_space<vmem>>
        %dma_wait3A_649 = arith.constant 0 : i32
        %dma_wait3A_650 = tpu.memref_slice %arg8[%dma_wait3A_645, %dma_wait3A_649] : memref<2x128xi32, #tpu.memory_space<vmem>> -> memref<1x64xi32, #tpu.memory_space<vmem>>
        %dma_wait3A_651 = tpu.memref_squeeze %dma_wait3A_650 : memref<1x64xi32, #tpu.memory_space<vmem>> -> memref<64xi32, #tpu.memory_space<vmem>>
        %dma_wait3A_652 = arith.constant 0 : i32
        %dma_wait3A_653 = arith.constant 0 : i32
        %dma_wait3A_654 = tpu.memref_slice %arg2[%dma_wait3A_652, %dma_wait3A_653] : memref<10000x128xf32, #tpu.memory_space<hbm>> -> memref<10000x128xf32, #tpu.memory_space<hbm>>
        tpu.wait_indirect_dma semaphore(%arg26 : memref<!tpu.dma_semaphore, #tpu.memory_space<semaphore_mem>>) src(%dma_wait3A_654 : memref<10000x128xf32, #tpu.memory_space<hbm>>) dst(%dma_wait3A_648 : memref<64x128xf32, #tpu.memory_space<vmem>>)
        %dma_wait3A_655 = arith.constant 0 : i32
        %dma_wait3A_656 = arith.constant 64 : i32
        %dma_wait3A_657 = arith.constant 0 : i32
        %dma_wait3A_658 = tpu.memref_slice %arg14[%dma_wait3A_656, %dma_wait3A_657] : memref<128x128xf32, #tpu.memory_space<vmem>> -> memref<64x128xf32, #tpu.memory_space<vmem>>
        %dma_wait3A_659 = arith.constant 64 : i32
        %dma_wait3A_660 = tpu.memref_slice %arg8[%dma_wait3A_655, %dma_wait3A_659] : memref<2x128xi32, #tpu.memory_space<vmem>> -> memref<1x64xi32, #tpu.memory_space<vmem>>
        %dma_wait3A_661 = tpu.memref_squeeze %dma_wait3A_660 : memref<1x64xi32, #tpu.memory_space<vmem>> -> memref<64xi32, #tpu.memory_space<vmem>>
        %dma_wait3A_662 = arith.constant 0 : i32
        %dma_wait3A_663 = arith.constant 0 : i32
        %dma_wait3A_664 = tpu.memref_slice %arg2[%dma_wait3A_662, %dma_wait3A_663] : memref<10000x128xf32, #tpu.memory_space<hbm>> -> memref<10000x128xf32, #tpu.memory_space<hbm>>
        tpu.wait_indirect_dma semaphore(%arg26 : memref<!tpu.dma_semaphore, #tpu.memory_space<semaphore_mem>>) src(%dma_wait3A_664 : memref<10000x128xf32, #tpu.memory_space<hbm>>) dst(%dma_wait3A_658 : memref<64x128xf32, #tpu.memory_space<vmem>>)
        %dma_start3A_665 = arith.constant 1 : i32
        %dma_start3A_666 = arith.constant 0 : i32
        %dma_start3A_667 = tpu.memref_slice %arg8[%dma_start3A_665, %dma_start3A_666] : memref<2x128xi32, #tpu.memory_space<vmem>> -> memref<1x128xi32, #tpu.memory_space<vmem>>
        %dma_start3A_668 = tpu.memref_squeeze %dma_start3A_667 : memref<1x128xi32, #tpu.memory_space<vmem>> -> memref<128xi32, #tpu.memory_space<vmem>>
        %dma_start3A_669 = arith.constant 0 : i32
        %dma_start3A_670 = arith.constant 0 : i32
        %dma_start3A_671 = tpu.memref_slice %arg17[%dma_start3A_669, %dma_start3A_670] : memref<10240x128xf32, #tpu.memory_space<vmem_shared>> -> memref<10240x128xf32, #tpu.memory_space<vmem_shared>>
        tpu.enqueue_indirect_dma source(%arg14 : memref<128x128xf32, #tpu.memory_space<vmem>>) target(%dma_start3A_671 : memref<10240x128xf32, #tpu.memory_space<vmem_shared>>) offsets(%dma_start3A_668 : memref<128xi32, #tpu.memory_space<vmem>>) semaphore(%arg28 : memref<!tpu.dma_semaphore, #tpu.memory_space<semaphore_mem>>) {add = true}
      } else {
      }
      %add3A_410 = arith.constant 7 : i32
      %add3A_411 = arith.addi %add3A_378, %add3A_410 : i32
      %mul3A_412 = arith.constant 32 : i32
      %mul3A_413 = arith.muli %add3A_411, %mul3A_412 : i32
      %add3A_414 = arith.addi %mul3A_413, %add3A : i32
      %lt3A_415 = arith.constant 2500 : i32
      %lt3A_416 = arith.cmpi slt, %add3A_414, %lt3A_415 : i32
      %convert_element_type3A_417 = arith.extui %lt3A_416 : i1 to i32
      %cond3A_418 = arith.constant 0 : i32
      %cond3A_419 = arith.cmpi ne, %convert_element_type3A_417, %cond3A_418 : i32
      scf.if %cond3A_419 {
        %add3A_645 = arith.constant 7 : i32
        %add3A_646 = arith.addi %add3A_378, %add3A_645 : i32
        %mul3A_647 = arith.constant 32 : i32
        %mul3A_648 = arith.muli %add3A_646, %mul3A_647 : i32
        %add3A_649 = arith.addi %mul3A_648, %add3A : i32
        %mul3A_650 = arith.constant 128 : i32
        %mul3A_651 = arith.muli %add3A_649, %mul3A_650 : i32
        %multiple_of3A_652 = tpu.assume_multiple %mul3A_651, 128 : i32
        %dma_start3A_653 = arith.constant 0 : i32
        %dma_start3A_654 = tpu.memref_slice %arg3[%dma_start3A_653, %multiple_of3A_652] : memref<2x320000xi32, #tpu.memory_space<hbm>> -> memref<2x128xi32, #tpu.memory_space<hbm>>
        %dma_start3A_655 = arith.constant 0 : i32
        %dma_start3A_656 = tpu.memref_slice %arg3[%dma_start3A_655, %multiple_of3A_652] : memref<2x320000xi32, #tpu.memory_space<hbm>> -> memref<2x128xi32, #tpu.memory_space<hbm>>
        tpu.enqueue_dma source(%dma_start3A_656 : memref<2x128xi32, #tpu.memory_space<hbm>>) target(%arg7 : memref<2x128xi32, #tpu.memory_space<vmem>>) target_semaphore(%arg19 : memref<!tpu.dma_semaphore, #tpu.memory_space<semaphore_mem>>)
      } else {
      }
      %mul3A_420 = arith.constant 8 : i32
      %mul3A_421 = arith.muli %scan3A_290, %mul3A_420 : i32
      %add3A_422 = arith.constant 3 : i32
      %add3A_423 = arith.addi %mul3A_421, %add3A_422 : i32
      %ge3A_424 = arith.constant 1 : i32
      %ge3A_425 = arith.cmpi sge, %add3A_423, %ge3A_424 : i32
      %sub3A_426 = arith.constant 1 : i32
      %sub3A_427 = arith.subi %add3A_423, %sub3A_426 : i32
      %mul3A_428 = arith.constant 32 : i32
      %mul3A_429 = arith.muli %sub3A_427, %mul3A_428 : i32
      %add3A_430 = arith.addi %mul3A_429, %add3A : i32
      %lt3A_431 = arith.constant 2500 : i32
      %lt3A_432 = arith.cmpi slt, %add3A_430, %lt3A_431 : i32
      %and3A_433 = arith.andi %ge3A_425, %lt3A_432 : i1
      %convert_element_type3A_434 = arith.extui %and3A_433 : i1 to i32
      %cond3A_435 = arith.constant 0 : i32
      %cond3A_436 = arith.cmpi ne, %convert_element_type3A_434, %cond3A_435 : i32
      scf.if %cond3A_436 {
        %dma_wait3A_645 = arith.constant 1 : i32
        %dma_wait3A_646 = arith.constant 0 : i32
        %dma_wait3A_647 = tpu.memref_slice %arg8[%dma_wait3A_645, %dma_wait3A_646] : memref<2x128xi32, #tpu.memory_space<vmem>> -> memref<1x128xi32, #tpu.memory_space<vmem>>
        %dma_wait3A_648 = tpu.memref_squeeze %dma_wait3A_647 : memref<1x128xi32, #tpu.memory_space<vmem>> -> memref<128xi32, #tpu.memory_space<vmem>>
        %dma_wait3A_649 = arith.constant 0 : i32
        %dma_wait3A_650 = arith.constant 0 : i32
        %dma_wait3A_651 = tpu.memref_slice %arg17[%dma_wait3A_649, %dma_wait3A_650] : memref<10240x128xf32, #tpu.memory_space<vmem_shared>> -> memref<10240x128xf32, #tpu.memory_space<vmem_shared>>
        tpu.wait_indirect_dma semaphore(%arg28 : memref<!tpu.dma_semaphore, #tpu.memory_space<semaphore_mem>>) src(%arg14 : memref<128x128xf32, #tpu.memory_space<vmem>>) dst(%dma_wait3A_651 : memref<10240x128xf32, #tpu.memory_space<vmem_shared>>)
      } else {
      }
      %add3A_437 = arith.constant 1 : i32
      %add3A_438 = arith.addi %add3A_423, %add3A_437 : i32
      %mul3A_439 = arith.constant 32 : i32
      %mul3A_440 = arith.muli %add3A_438, %mul3A_439 : i32
      %add3A_441 = arith.addi %mul3A_440, %add3A : i32
      %lt3A_442 = arith.constant 2500 : i32
      %lt3A_443 = arith.cmpi slt, %add3A_441, %lt3A_442 : i32
      %convert_element_type3A_444 = arith.extui %lt3A_443 : i1 to i32
      %cond3A_445 = arith.constant 0 : i32
      %cond3A_446 = arith.cmpi ne, %convert_element_type3A_444, %cond3A_445 : i32
      scf.if %cond3A_446 {
        %add3A_645 = arith.constant 1 : i32
        %add3A_646 = arith.addi %add3A_423, %add3A_645 : i32
        %mul3A_647 = arith.constant 32 : i32
        %mul3A_648 = arith.muli %add3A_646, %mul3A_647 : i32
        %add3A_649 = arith.addi %mul3A_648, %add3A : i32
        %mul3A_650 = arith.constant 128 : i32
        %mul3A_651 = arith.muli %add3A_649, %mul3A_650 : i32
        %multiple_of3A_652 = tpu.assume_multiple %mul3A_651, 128 : i32
        %dma_wait3A_653 = arith.constant 0 : i32
        %dma_wait3A_654 = tpu.memref_slice %arg3[%dma_wait3A_653, %multiple_of3A_652] : memref<2x320000xi32, #tpu.memory_space<hbm>> -> memref<2x128xi32, #tpu.memory_space<hbm>>
        %dma_wait3A_655 = arith.constant 0 : i32
        %dma_wait3A_656 = tpu.memref_slice %arg3[%dma_wait3A_655, %multiple_of3A_652] : memref<2x320000xi32, #tpu.memory_space<hbm>> -> memref<2x128xi32, #tpu.memory_space<hbm>>
        tpu.wait_dma2 semaphore(%arg22 : memref<!tpu.dma_semaphore, #tpu.memory_space<semaphore_mem>>) src(%dma_wait3A_656 : memref<2x128xi32, #tpu.memory_space<hbm>>) dst(%arg10 : memref<2x128xi32, #tpu.memory_space<vmem>>)
        %dma_start3A_657 = arith.constant 0 : i32
        %dma_start3A_658 = arith.constant 0 : i32
        %dma_start3A_659 = arith.constant 0 : i32
        %dma_start3A_660 = tpu.memref_slice %arg14[%dma_start3A_658, %dma_start3A_659] : memref<128x128xf32, #tpu.memory_space<vmem>> -> memref<64x128xf32, #tpu.memory_space<vmem>>
        %dma_start3A_661 = arith.constant 0 : i32
        %dma_start3A_662 = tpu.memref_slice %arg10[%dma_start3A_657, %dma_start3A_661] : memref<2x128xi32, #tpu.memory_space<vmem>> -> memref<1x64xi32, #tpu.memory_space<vmem>>
        %dma_start3A_663 = tpu.memref_squeeze %dma_start3A_662 : memref<1x64xi32, #tpu.memory_space<vmem>> -> memref<64xi32, #tpu.memory_space<vmem>>
        %dma_start3A_664 = arith.constant 0 : i32
        %dma_start3A_665 = arith.constant 0 : i32
        %dma_start3A_666 = tpu.memref_slice %arg2[%dma_start3A_664, %dma_start3A_665] : memref<10000x128xf32, #tpu.memory_space<hbm>> -> memref<10000x128xf32, #tpu.memory_space<hbm>>
        tpu.enqueue_indirect_dma source(%dma_start3A_666 : memref<10000x128xf32, #tpu.memory_space<hbm>>) target(%dma_start3A_660 : memref<64x128xf32, #tpu.memory_space<vmem>>) offsets(%dma_start3A_663 : memref<64xi32, #tpu.memory_space<vmem>>) semaphore(%arg26 : memref<!tpu.dma_semaphore, #tpu.memory_space<semaphore_mem>>)
        %dma_start3A_667 = arith.constant 0 : i32
        %dma_start3A_668 = arith.constant 64 : i32
        %dma_start3A_669 = arith.constant 0 : i32
        %dma_start3A_670 = tpu.memref_slice %arg14[%dma_start3A_668, %dma_start3A_669] : memref<128x128xf32, #tpu.memory_space<vmem>> -> memref<64x128xf32, #tpu.memory_space<vmem>>
        %dma_start3A_671 = arith.constant 64 : i32
        %dma_start3A_672 = tpu.memref_slice %arg10[%dma_start3A_667, %dma_start3A_671] : memref<2x128xi32, #tpu.memory_space<vmem>> -> memref<1x64xi32, #tpu.memory_space<vmem>>
        %dma_start3A_673 = tpu.memref_squeeze %dma_start3A_672 : memref<1x64xi32, #tpu.memory_space<vmem>> -> memref<64xi32, #tpu.memory_space<vmem>>
        %dma_start3A_674 = arith.constant 0 : i32
        %dma_start3A_675 = arith.constant 0 : i32
        %dma_start3A_676 = tpu.memref_slice %arg2[%dma_start3A_674, %dma_start3A_675] : memref<10000x128xf32, #tpu.memory_space<hbm>> -> memref<10000x128xf32, #tpu.memory_space<hbm>>
        tpu.enqueue_indirect_dma source(%dma_start3A_676 : memref<10000x128xf32, #tpu.memory_space<hbm>>) target(%dma_start3A_670 : memref<64x128xf32, #tpu.memory_space<vmem>>) offsets(%dma_start3A_673 : memref<64xi32, #tpu.memory_space<vmem>>) semaphore(%arg26 : memref<!tpu.dma_semaphore, #tpu.memory_space<semaphore_mem>>)
      } else {
      }
      %mul3A_447 = arith.constant 32 : i32
      %mul3A_448 = arith.muli %add3A_423, %mul3A_447 : i32
      %add3A_449 = arith.addi %mul3A_448, %add3A : i32
      %lt3A_450 = arith.constant 2500 : i32
      %lt3A_451 = arith.cmpi slt, %add3A_449, %lt3A_450 : i32
      %convert_element_type3A_452 = arith.extui %lt3A_451 : i1 to i32
      %cond3A_453 = arith.constant 0 : i32
      %cond3A_454 = arith.cmpi ne, %convert_element_type3A_452, %cond3A_453 : i32
      scf.if %cond3A_454 {
        %dma_wait3A_645 = arith.constant 0 : i32
        %dma_wait3A_646 = arith.constant 0 : i32
        %dma_wait3A_647 = arith.constant 0 : i32
        %dma_wait3A_648 = tpu.memref_slice %arg15[%dma_wait3A_646, %dma_wait3A_647] : memref<128x128xf32, #tpu.memory_space<vmem>> -> memref<64x128xf32, #tpu.memory_space<vmem>>
        %dma_wait3A_649 = arith.constant 0 : i32
        %dma_wait3A_650 = tpu.memref_slice %arg9[%dma_wait3A_645, %dma_wait3A_649] : memref<2x128xi32, #tpu.memory_space<vmem>> -> memref<1x64xi32, #tpu.memory_space<vmem>>
        %dma_wait3A_651 = tpu.memref_squeeze %dma_wait3A_650 : memref<1x64xi32, #tpu.memory_space<vmem>> -> memref<64xi32, #tpu.memory_space<vmem>>
        %dma_wait3A_652 = arith.constant 0 : i32
        %dma_wait3A_653 = arith.constant 0 : i32
        %dma_wait3A_654 = tpu.memref_slice %arg2[%dma_wait3A_652, %dma_wait3A_653] : memref<10000x128xf32, #tpu.memory_space<hbm>> -> memref<10000x128xf32, #tpu.memory_space<hbm>>
        tpu.wait_indirect_dma semaphore(%arg27 : memref<!tpu.dma_semaphore, #tpu.memory_space<semaphore_mem>>) src(%dma_wait3A_654 : memref<10000x128xf32, #tpu.memory_space<hbm>>) dst(%dma_wait3A_648 : memref<64x128xf32, #tpu.memory_space<vmem>>)
        %dma_wait3A_655 = arith.constant 0 : i32
        %dma_wait3A_656 = arith.constant 64 : i32
        %dma_wait3A_657 = arith.constant 0 : i32
        %dma_wait3A_658 = tpu.memref_slice %arg15[%dma_wait3A_656, %dma_wait3A_657] : memref<128x128xf32, #tpu.memory_space<vmem>> -> memref<64x128xf32, #tpu.memory_space<vmem>>
        %dma_wait3A_659 = arith.constant 64 : i32
        %dma_wait3A_660 = tpu.memref_slice %arg9[%dma_wait3A_655, %dma_wait3A_659] : memref<2x128xi32, #tpu.memory_space<vmem>> -> memref<1x64xi32, #tpu.memory_space<vmem>>
        %dma_wait3A_661 = tpu.memref_squeeze %dma_wait3A_660 : memref<1x64xi32, #tpu.memory_space<vmem>> -> memref<64xi32, #tpu.memory_space<vmem>>
        %dma_wait3A_662 = arith.constant 0 : i32
        %dma_wait3A_663 = arith.constant 0 : i32
        %dma_wait3A_664 = tpu.memref_slice %arg2[%dma_wait3A_662, %dma_wait3A_663] : memref<10000x128xf32, #tpu.memory_space<hbm>> -> memref<10000x128xf32, #tpu.memory_space<hbm>>
        tpu.wait_indirect_dma semaphore(%arg27 : memref<!tpu.dma_semaphore, #tpu.memory_space<semaphore_mem>>) src(%dma_wait3A_664 : memref<10000x128xf32, #tpu.memory_space<hbm>>) dst(%dma_wait3A_658 : memref<64x128xf32, #tpu.memory_space<vmem>>)
        %dma_start3A_665 = arith.constant 1 : i32
        %dma_start3A_666 = arith.constant 0 : i32
        %dma_start3A_667 = tpu.memref_slice %arg9[%dma_start3A_665, %dma_start3A_666] : memref<2x128xi32, #tpu.memory_space<vmem>> -> memref<1x128xi32, #tpu.memory_space<vmem>>
        %dma_start3A_668 = tpu.memref_squeeze %dma_start3A_667 : memref<1x128xi32, #tpu.memory_space<vmem>> -> memref<128xi32, #tpu.memory_space<vmem>>
        %dma_start3A_669 = arith.constant 0 : i32
        %dma_start3A_670 = arith.constant 0 : i32
        %dma_start3A_671 = tpu.memref_slice %arg17[%dma_start3A_669, %dma_start3A_670] : memref<10240x128xf32, #tpu.memory_space<vmem_shared>> -> memref<10240x128xf32, #tpu.memory_space<vmem_shared>>
        tpu.enqueue_indirect_dma source(%arg15 : memref<128x128xf32, #tpu.memory_space<vmem>>) target(%dma_start3A_671 : memref<10240x128xf32, #tpu.memory_space<vmem_shared>>) offsets(%dma_start3A_668 : memref<128xi32, #tpu.memory_space<vmem>>) semaphore(%arg29 : memref<!tpu.dma_semaphore, #tpu.memory_space<semaphore_mem>>) {add = true}
      } else {
      }
      %add3A_455 = arith.constant 7 : i32
      %add3A_456 = arith.addi %add3A_423, %add3A_455 : i32
      %mul3A_457 = arith.constant 32 : i32
      %mul3A_458 = arith.muli %add3A_456, %mul3A_457 : i32
      %add3A_459 = arith.addi %mul3A_458, %add3A : i32
      %lt3A_460 = arith.constant 2500 : i32
      %lt3A_461 = arith.cmpi slt, %add3A_459, %lt3A_460 : i32
      %convert_element_type3A_462 = arith.extui %lt3A_461 : i1 to i32
      %cond3A_463 = arith.constant 0 : i32
      %cond3A_464 = arith.cmpi ne, %convert_element_type3A_462, %cond3A_463 : i32
      scf.if %cond3A_464 {
        %add3A_645 = arith.constant 7 : i32
        %add3A_646 = arith.addi %add3A_423, %add3A_645 : i32
        %mul3A_647 = arith.constant 32 : i32
        %mul3A_648 = arith.muli %add3A_646, %mul3A_647 : i32
        %add3A_649 = arith.addi %mul3A_648, %add3A : i32
        %mul3A_650 = arith.constant 128 : i32
        %mul3A_651 = arith.muli %add3A_649, %mul3A_650 : i32
        %multiple_of3A_652 = tpu.assume_multiple %mul3A_651, 128 : i32
        %dma_start3A_653 = arith.constant 0 : i32
        %dma_start3A_654 = tpu.memref_slice %arg3[%dma_start3A_653, %multiple_of3A_652] : memref<2x320000xi32, #tpu.memory_space<hbm>> -> memref<2x128xi32, #tpu.memory_space<hbm>>
        %dma_start3A_655 = arith.constant 0 : i32
        %dma_start3A_656 = tpu.memref_slice %arg3[%dma_start3A_655, %multiple_of3A_652] : memref<2x320000xi32, #tpu.memory_space<hbm>> -> memref<2x128xi32, #tpu.memory_space<hbm>>
        tpu.enqueue_dma source(%dma_start3A_656 : memref<2x128xi32, #tpu.memory_space<hbm>>) target(%arg8 : memref<2x128xi32, #tpu.memory_space<vmem>>) target_semaphore(%arg20 : memref<!tpu.dma_semaphore, #tpu.memory_space<semaphore_mem>>)
      } else {
      }
      %mul3A_465 = arith.constant 8 : i32
      %mul3A_466 = arith.muli %scan3A_290, %mul3A_465 : i32
      %add3A_467 = arith.constant 4 : i32
      %add3A_468 = arith.addi %mul3A_466, %add3A_467 : i32
      %ge3A_469 = arith.constant 1 : i32
      %ge3A_470 = arith.cmpi sge, %add3A_468, %ge3A_469 : i32
      %sub3A_471 = arith.constant 1 : i32
      %sub3A_472 = arith.subi %add3A_468, %sub3A_471 : i32
      %mul3A_473 = arith.constant 32 : i32
      %mul3A_474 = arith.muli %sub3A_472, %mul3A_473 : i32
      %add3A_475 = arith.addi %mul3A_474, %add3A : i32
      %lt3A_476 = arith.constant 2500 : i32
      %lt3A_477 = arith.cmpi slt, %add3A_475, %lt3A_476 : i32
      %and3A_478 = arith.andi %ge3A_470, %lt3A_477 : i1
      %convert_element_type3A_479 = arith.extui %and3A_478 : i1 to i32
      %cond3A_480 = arith.constant 0 : i32
      %cond3A_481 = arith.cmpi ne, %convert_element_type3A_479, %cond3A_480 : i32
      scf.if %cond3A_481 {
        %dma_wait3A_645 = arith.constant 1 : i32
        %dma_wait3A_646 = arith.constant 0 : i32
        %dma_wait3A_647 = tpu.memref_slice %arg9[%dma_wait3A_645, %dma_wait3A_646] : memref<2x128xi32, #tpu.memory_space<vmem>> -> memref<1x128xi32, #tpu.memory_space<vmem>>
        %dma_wait3A_648 = tpu.memref_squeeze %dma_wait3A_647 : memref<1x128xi32, #tpu.memory_space<vmem>> -> memref<128xi32, #tpu.memory_space<vmem>>
        %dma_wait3A_649 = arith.constant 0 : i32
        %dma_wait3A_650 = arith.constant 0 : i32
        %dma_wait3A_651 = tpu.memref_slice %arg17[%dma_wait3A_649, %dma_wait3A_650] : memref<10240x128xf32, #tpu.memory_space<vmem_shared>> -> memref<10240x128xf32, #tpu.memory_space<vmem_shared>>
        tpu.wait_indirect_dma semaphore(%arg29 : memref<!tpu.dma_semaphore, #tpu.memory_space<semaphore_mem>>) src(%arg15 : memref<128x128xf32, #tpu.memory_space<vmem>>) dst(%dma_wait3A_651 : memref<10240x128xf32, #tpu.memory_space<vmem_shared>>)
      } else {
      }
      %add3A_482 = arith.constant 1 : i32
      %add3A_483 = arith.addi %add3A_468, %add3A_482 : i32
      %mul3A_484 = arith.constant 32 : i32
      %mul3A_485 = arith.muli %add3A_483, %mul3A_484 : i32
      %add3A_486 = arith.addi %mul3A_485, %add3A : i32
      %lt3A_487 = arith.constant 2500 : i32
      %lt3A_488 = arith.cmpi slt, %add3A_486, %lt3A_487 : i32
      %convert_element_type3A_489 = arith.extui %lt3A_488 : i1 to i32
      %cond3A_490 = arith.constant 0 : i32
      %cond3A_491 = arith.cmpi ne, %convert_element_type3A_489, %cond3A_490 : i32
      scf.if %cond3A_491 {
        %add3A_645 = arith.constant 1 : i32
        %add3A_646 = arith.addi %add3A_468, %add3A_645 : i32
        %mul3A_647 = arith.constant 32 : i32
        %mul3A_648 = arith.muli %add3A_646, %mul3A_647 : i32
        %add3A_649 = arith.addi %mul3A_648, %add3A : i32
        %mul3A_650 = arith.constant 128 : i32
        %mul3A_651 = arith.muli %add3A_649, %mul3A_650 : i32
        %multiple_of3A_652 = tpu.assume_multiple %mul3A_651, 128 : i32
        %dma_wait3A_653 = arith.constant 0 : i32
        %dma_wait3A_654 = tpu.memref_slice %arg3[%dma_wait3A_653, %multiple_of3A_652] : memref<2x320000xi32, #tpu.memory_space<hbm>> -> memref<2x128xi32, #tpu.memory_space<hbm>>
        %dma_wait3A_655 = arith.constant 0 : i32
        %dma_wait3A_656 = tpu.memref_slice %arg3[%dma_wait3A_655, %multiple_of3A_652] : memref<2x320000xi32, #tpu.memory_space<hbm>> -> memref<2x128xi32, #tpu.memory_space<hbm>>
        tpu.wait_dma2 semaphore(%arg23 : memref<!tpu.dma_semaphore, #tpu.memory_space<semaphore_mem>>) src(%dma_wait3A_656 : memref<2x128xi32, #tpu.memory_space<hbm>>) dst(%arg11 : memref<2x128xi32, #tpu.memory_space<vmem>>)
        %dma_start3A_657 = arith.constant 0 : i32
        %dma_start3A_658 = arith.constant 0 : i32
        %dma_start3A_659 = arith.constant 0 : i32
        %dma_start3A_660 = tpu.memref_slice %arg15[%dma_start3A_658, %dma_start3A_659] : memref<128x128xf32, #tpu.memory_space<vmem>> -> memref<64x128xf32, #tpu.memory_space<vmem>>
        %dma_start3A_661 = arith.constant 0 : i32
        %dma_start3A_662 = tpu.memref_slice %arg11[%dma_start3A_657, %dma_start3A_661] : memref<2x128xi32, #tpu.memory_space<vmem>> -> memref<1x64xi32, #tpu.memory_space<vmem>>
        %dma_start3A_663 = tpu.memref_squeeze %dma_start3A_662 : memref<1x64xi32, #tpu.memory_space<vmem>> -> memref<64xi32, #tpu.memory_space<vmem>>
        %dma_start3A_664 = arith.constant 0 : i32
        %dma_start3A_665 = arith.constant 0 : i32
        %dma_start3A_666 = tpu.memref_slice %arg2[%dma_start3A_664, %dma_start3A_665] : memref<10000x128xf32, #tpu.memory_space<hbm>> -> memref<10000x128xf32, #tpu.memory_space<hbm>>
        tpu.enqueue_indirect_dma source(%dma_start3A_666 : memref<10000x128xf32, #tpu.memory_space<hbm>>) target(%dma_start3A_660 : memref<64x128xf32, #tpu.memory_space<vmem>>) offsets(%dma_start3A_663 : memref<64xi32, #tpu.memory_space<vmem>>) semaphore(%arg27 : memref<!tpu.dma_semaphore, #tpu.memory_space<semaphore_mem>>)
        %dma_start3A_667 = arith.constant 0 : i32
        %dma_start3A_668 = arith.constant 64 : i32
        %dma_start3A_669 = arith.constant 0 : i32
        %dma_start3A_670 = tpu.memref_slice %arg15[%dma_start3A_668, %dma_start3A_669] : memref<128x128xf32, #tpu.memory_space<vmem>> -> memref<64x128xf32, #tpu.memory_space<vmem>>
        %dma_start3A_671 = arith.constant 64 : i32
        %dma_start3A_672 = tpu.memref_slice %arg11[%dma_start3A_667, %dma_start3A_671] : memref<2x128xi32, #tpu.memory_space<vmem>> -> memref<1x64xi32, #tpu.memory_space<vmem>>
        %dma_start3A_673 = tpu.memref_squeeze %dma_start3A_672 : memref<1x64xi32, #tpu.memory_space<vmem>> -> memref<64xi32, #tpu.memory_space<vmem>>
        %dma_start3A_674 = arith.constant 0 : i32
        %dma_start3A_675 = arith.constant 0 : i32
        %dma_start3A_676 = tpu.memref_slice %arg2[%dma_start3A_674, %dma_start3A_675] : memref<10000x128xf32, #tpu.memory_space<hbm>> -> memref<10000x128xf32, #tpu.memory_space<hbm>>
        tpu.enqueue_indirect_dma source(%dma_start3A_676 : memref<10000x128xf32, #tpu.memory_space<hbm>>) target(%dma_start3A_670 : memref<64x128xf32, #tpu.memory_space<vmem>>) offsets(%dma_start3A_673 : memref<64xi32, #tpu.memory_space<vmem>>) semaphore(%arg27 : memref<!tpu.dma_semaphore, #tpu.memory_space<semaphore_mem>>)
      } else {
      }
      %mul3A_492 = arith.constant 32 : i32
      %mul3A_493 = arith.muli %add3A_468, %mul3A_492 : i32
      %add3A_494 = arith.addi %mul3A_493, %add3A : i32
      %lt3A_495 = arith.constant 2500 : i32
      %lt3A_496 = arith.cmpi slt, %add3A_494, %lt3A_495 : i32
      %convert_element_type3A_497 = arith.extui %lt3A_496 : i1 to i32
      %cond3A_498 = arith.constant 0 : i32
      %cond3A_499 = arith.cmpi ne, %convert_element_type3A_497, %cond3A_498 : i32
      scf.if %cond3A_499 {
        %dma_wait3A_645 = arith.constant 0 : i32
        %dma_wait3A_646 = arith.constant 0 : i32
        %dma_wait3A_647 = arith.constant 0 : i32
        %dma_wait3A_648 = tpu.memref_slice %arg14[%dma_wait3A_646, %dma_wait3A_647] : memref<128x128xf32, #tpu.memory_space<vmem>> -> memref<64x128xf32, #tpu.memory_space<vmem>>
        %dma_wait3A_649 = arith.constant 0 : i32
        %dma_wait3A_650 = tpu.memref_slice %arg10[%dma_wait3A_645, %dma_wait3A_649] : memref<2x128xi32, #tpu.memory_space<vmem>> -> memref<1x64xi32, #tpu.memory_space<vmem>>
        %dma_wait3A_651 = tpu.memref_squeeze %dma_wait3A_650 : memref<1x64xi32, #tpu.memory_space<vmem>> -> memref<64xi32, #tpu.memory_space<vmem>>
        %dma_wait3A_652 = arith.constant 0 : i32
        %dma_wait3A_653 = arith.constant 0 : i32
        %dma_wait3A_654 = tpu.memref_slice %arg2[%dma_wait3A_652, %dma_wait3A_653] : memref<10000x128xf32, #tpu.memory_space<hbm>> -> memref<10000x128xf32, #tpu.memory_space<hbm>>
        tpu.wait_indirect_dma semaphore(%arg26 : memref<!tpu.dma_semaphore, #tpu.memory_space<semaphore_mem>>) src(%dma_wait3A_654 : memref<10000x128xf32, #tpu.memory_space<hbm>>) dst(%dma_wait3A_648 : memref<64x128xf32, #tpu.memory_space<vmem>>)
        %dma_wait3A_655 = arith.constant 0 : i32
        %dma_wait3A_656 = arith.constant 64 : i32
        %dma_wait3A_657 = arith.constant 0 : i32
        %dma_wait3A_658 = tpu.memref_slice %arg14[%dma_wait3A_656, %dma_wait3A_657] : memref<128x128xf32, #tpu.memory_space<vmem>> -> memref<64x128xf32, #tpu.memory_space<vmem>>
        %dma_wait3A_659 = arith.constant 64 : i32
        %dma_wait3A_660 = tpu.memref_slice %arg10[%dma_wait3A_655, %dma_wait3A_659] : memref<2x128xi32, #tpu.memory_space<vmem>> -> memref<1x64xi32, #tpu.memory_space<vmem>>
        %dma_wait3A_661 = tpu.memref_squeeze %dma_wait3A_660 : memref<1x64xi32, #tpu.memory_space<vmem>> -> memref<64xi32, #tpu.memory_space<vmem>>
        %dma_wait3A_662 = arith.constant 0 : i32
        %dma_wait3A_663 = arith.constant 0 : i32
        %dma_wait3A_664 = tpu.memref_slice %arg2[%dma_wait3A_662, %dma_wait3A_663] : memref<10000x128xf32, #tpu.memory_space<hbm>> -> memref<10000x128xf32, #tpu.memory_space<hbm>>
        tpu.wait_indirect_dma semaphore(%arg26 : memref<!tpu.dma_semaphore, #tpu.memory_space<semaphore_mem>>) src(%dma_wait3A_664 : memref<10000x128xf32, #tpu.memory_space<hbm>>) dst(%dma_wait3A_658 : memref<64x128xf32, #tpu.memory_space<vmem>>)
        %dma_start3A_665 = arith.constant 1 : i32
        %dma_start3A_666 = arith.constant 0 : i32
        %dma_start3A_667 = tpu.memref_slice %arg10[%dma_start3A_665, %dma_start3A_666] : memref<2x128xi32, #tpu.memory_space<vmem>> -> memref<1x128xi32, #tpu.memory_space<vmem>>
        %dma_start3A_668 = tpu.memref_squeeze %dma_start3A_667 : memref<1x128xi32, #tpu.memory_space<vmem>> -> memref<128xi32, #tpu.memory_space<vmem>>
        %dma_start3A_669 = arith.constant 0 : i32
        %dma_start3A_670 = arith.constant 0 : i32
        %dma_start3A_671 = tpu.memref_slice %arg17[%dma_start3A_669, %dma_start3A_670] : memref<10240x128xf32, #tpu.memory_space<vmem_shared>> -> memref<10240x128xf32, #tpu.memory_space<vmem_shared>>
        tpu.enqueue_indirect_dma source(%arg14 : memref<128x128xf32, #tpu.memory_space<vmem>>) target(%dma_start3A_671 : memref<10240x128xf32, #tpu.memory_space<vmem_shared>>) offsets(%dma_start3A_668 : memref<128xi32, #tpu.memory_space<vmem>>) semaphore(%arg28 : memref<!tpu.dma_semaphore, #tpu.memory_space<semaphore_mem>>) {add = true}
      } else {
      }
      %add3A_500 = arith.constant 7 : i32
      %add3A_501 = arith.addi %add3A_468, %add3A_500 : i32
      %mul3A_502 = arith.constant 32 : i32
      %mul3A_503 = arith.muli %add3A_501, %mul3A_502 : i32
      %add3A_504 = arith.addi %mul3A_503, %add3A : i32
      %lt3A_505 = arith.constant 2500 : i32
      %lt3A_506 = arith.cmpi slt, %add3A_504, %lt3A_505 : i32
      %convert_element_type3A_507 = arith.extui %lt3A_506 : i1 to i32
      %cond3A_508 = arith.constant 0 : i32
      %cond3A_509 = arith.cmpi ne, %convert_element_type3A_507, %cond3A_508 : i32
      scf.if %cond3A_509 {
        %add3A_645 = arith.constant 7 : i32
        %add3A_646 = arith.addi %add3A_468, %add3A_645 : i32
        %mul3A_647 = arith.constant 32 : i32
        %mul3A_648 = arith.muli %add3A_646, %mul3A_647 : i32
        %add3A_649 = arith.addi %mul3A_648, %add3A : i32
        %mul3A_650 = arith.constant 128 : i32
        %mul3A_651 = arith.muli %add3A_649, %mul3A_650 : i32
        %multiple_of3A_652 = tpu.assume_multiple %mul3A_651, 128 : i32
        %dma_start3A_653 = arith.constant 0 : i32
        %dma_start3A_654 = tpu.memref_slice %arg3[%dma_start3A_653, %multiple_of3A_652] : memref<2x320000xi32, #tpu.memory_space<hbm>> -> memref<2x128xi32, #tpu.memory_space<hbm>>
        %dma_start3A_655 = arith.constant 0 : i32
        %dma_start3A_656 = tpu.memref_slice %arg3[%dma_start3A_655, %multiple_of3A_652] : memref<2x320000xi32, #tpu.memory_space<hbm>> -> memref<2x128xi32, #tpu.memory_space<hbm>>
        tpu.enqueue_dma source(%dma_start3A_656 : memref<2x128xi32, #tpu.memory_space<hbm>>) target(%arg9 : memref<2x128xi32, #tpu.memory_space<vmem>>) target_semaphore(%arg21 : memref<!tpu.dma_semaphore, #tpu.memory_space<semaphore_mem>>)
      } else {
      }
      %mul3A_510 = arith.constant 8 : i32
      %mul3A_511 = arith.muli %scan3A_290, %mul3A_510 : i32
      %add3A_512 = arith.constant 5 : i32
      %add3A_513 = arith.addi %mul3A_511, %add3A_512 : i32
      %ge3A_514 = arith.constant 1 : i32
      %ge3A_515 = arith.cmpi sge, %add3A_513, %ge3A_514 : i32
      %sub3A_516 = arith.constant 1 : i32
      %sub3A_517 = arith.subi %add3A_513, %sub3A_516 : i32
      %mul3A_518 = arith.constant 32 : i32
      %mul3A_519 = arith.muli %sub3A_517, %mul3A_518 : i32
      %add3A_520 = arith.addi %mul3A_519, %add3A : i32
      %lt3A_521 = arith.constant 2500 : i32
      %lt3A_522 = arith.cmpi slt, %add3A_520, %lt3A_521 : i32
      %and3A_523 = arith.andi %ge3A_515, %lt3A_522 : i1
      %convert_element_type3A_524 = arith.extui %and3A_523 : i1 to i32
      %cond3A_525 = arith.constant 0 : i32
      %cond3A_526 = arith.cmpi ne, %convert_element_type3A_524, %cond3A_525 : i32
      scf.if %cond3A_526 {
        %dma_wait3A_645 = arith.constant 1 : i32
        %dma_wait3A_646 = arith.constant 0 : i32
        %dma_wait3A_647 = tpu.memref_slice %arg10[%dma_wait3A_645, %dma_wait3A_646] : memref<2x128xi32, #tpu.memory_space<vmem>> -> memref<1x128xi32, #tpu.memory_space<vmem>>
        %dma_wait3A_648 = tpu.memref_squeeze %dma_wait3A_647 : memref<1x128xi32, #tpu.memory_space<vmem>> -> memref<128xi32, #tpu.memory_space<vmem>>
        %dma_wait3A_649 = arith.constant 0 : i32
        %dma_wait3A_650 = arith.constant 0 : i32
        %dma_wait3A_651 = tpu.memref_slice %arg17[%dma_wait3A_649, %dma_wait3A_650] : memref<10240x128xf32, #tpu.memory_space<vmem_shared>> -> memref<10240x128xf32, #tpu.memory_space<vmem_shared>>
        tpu.wait_indirect_dma semaphore(%arg28 : memref<!tpu.dma_semaphore, #tpu.memory_space<semaphore_mem>>) src(%arg14 : memref<128x128xf32, #tpu.memory_space<vmem>>) dst(%dma_wait3A_651 : memref<10240x128xf32, #tpu.memory_space<vmem_shared>>)
      } else {
      }
      %add3A_527 = arith.constant 1 : i32
      %add3A_528 = arith.addi %add3A_513, %add3A_527 : i32
      %mul3A_529 = arith.constant 32 : i32
      %mul3A_530 = arith.muli %add3A_528, %mul3A_529 : i32
      %add3A_531 = arith.addi %mul3A_530, %add3A : i32
      %lt3A_532 = arith.constant 2500 : i32
      %lt3A_533 = arith.cmpi slt, %add3A_531, %lt3A_532 : i32
      %convert_element_type3A_534 = arith.extui %lt3A_533 : i1 to i32
      %cond3A_535 = arith.constant 0 : i32
      %cond3A_536 = arith.cmpi ne, %convert_element_type3A_534, %cond3A_535 : i32
      scf.if %cond3A_536 {
        %add3A_645 = arith.constant 1 : i32
        %add3A_646 = arith.addi %add3A_513, %add3A_645 : i32
        %mul3A_647 = arith.constant 32 : i32
        %mul3A_648 = arith.muli %add3A_646, %mul3A_647 : i32
        %add3A_649 = arith.addi %mul3A_648, %add3A : i32
        %mul3A_650 = arith.constant 128 : i32
        %mul3A_651 = arith.muli %add3A_649, %mul3A_650 : i32
        %multiple_of3A_652 = tpu.assume_multiple %mul3A_651, 128 : i32
        %dma_wait3A_653 = arith.constant 0 : i32
        %dma_wait3A_654 = tpu.memref_slice %arg3[%dma_wait3A_653, %multiple_of3A_652] : memref<2x320000xi32, #tpu.memory_space<hbm>> -> memref<2x128xi32, #tpu.memory_space<hbm>>
        %dma_wait3A_655 = arith.constant 0 : i32
        %dma_wait3A_656 = tpu.memref_slice %arg3[%dma_wait3A_655, %multiple_of3A_652] : memref<2x320000xi32, #tpu.memory_space<hbm>> -> memref<2x128xi32, #tpu.memory_space<hbm>>
        tpu.wait_dma2 semaphore(%arg24 : memref<!tpu.dma_semaphore, #tpu.memory_space<semaphore_mem>>) src(%dma_wait3A_656 : memref<2x128xi32, #tpu.memory_space<hbm>>) dst(%arg12 : memref<2x128xi32, #tpu.memory_space<vmem>>)
        %dma_start3A_657 = arith.constant 0 : i32
        %dma_start3A_658 = arith.constant 0 : i32
        %dma_start3A_659 = arith.constant 0 : i32
        %dma_start3A_660 = tpu.memref_slice %arg14[%dma_start3A_658, %dma_start3A_659] : memref<128x128xf32, #tpu.memory_space<vmem>> -> memref<64x128xf32, #tpu.memory_space<vmem>>
        %dma_start3A_661 = arith.constant 0 : i32
        %dma_start3A_662 = tpu.memref_slice %arg12[%dma_start3A_657, %dma_start3A_661] : memref<2x128xi32, #tpu.memory_space<vmem>> -> memref<1x64xi32, #tpu.memory_space<vmem>>
        %dma_start3A_663 = tpu.memref_squeeze %dma_start3A_662 : memref<1x64xi32, #tpu.memory_space<vmem>> -> memref<64xi32, #tpu.memory_space<vmem>>
        %dma_start3A_664 = arith.constant 0 : i32
        %dma_start3A_665 = arith.constant 0 : i32
        %dma_start3A_666 = tpu.memref_slice %arg2[%dma_start3A_664, %dma_start3A_665] : memref<10000x128xf32, #tpu.memory_space<hbm>> -> memref<10000x128xf32, #tpu.memory_space<hbm>>
        tpu.enqueue_indirect_dma source(%dma_start3A_666 : memref<10000x128xf32, #tpu.memory_space<hbm>>) target(%dma_start3A_660 : memref<64x128xf32, #tpu.memory_space<vmem>>) offsets(%dma_start3A_663 : memref<64xi32, #tpu.memory_space<vmem>>) semaphore(%arg26 : memref<!tpu.dma_semaphore, #tpu.memory_space<semaphore_mem>>)
        %dma_start3A_667 = arith.constant 0 : i32
        %dma_start3A_668 = arith.constant 64 : i32
        %dma_start3A_669 = arith.constant 0 : i32
        %dma_start3A_670 = tpu.memref_slice %arg14[%dma_start3A_668, %dma_start3A_669] : memref<128x128xf32, #tpu.memory_space<vmem>> -> memref<64x128xf32, #tpu.memory_space<vmem>>
        %dma_start3A_671 = arith.constant 64 : i32
        %dma_start3A_672 = tpu.memref_slice %arg12[%dma_start3A_667, %dma_start3A_671] : memref<2x128xi32, #tpu.memory_space<vmem>> -> memref<1x64xi32, #tpu.memory_space<vmem>>
        %dma_start3A_673 = tpu.memref_squeeze %dma_start3A_672 : memref<1x64xi32, #tpu.memory_space<vmem>> -> memref<64xi32, #tpu.memory_space<vmem>>
        %dma_start3A_674 = arith.constant 0 : i32
        %dma_start3A_675 = arith.constant 0 : i32
        %dma_start3A_676 = tpu.memref_slice %arg2[%dma_start3A_674, %dma_start3A_675] : memref<10000x128xf32, #tpu.memory_space<hbm>> -> memref<10000x128xf32, #tpu.memory_space<hbm>>
        tpu.enqueue_indirect_dma source(%dma_start3A_676 : memref<10000x128xf32, #tpu.memory_space<hbm>>) target(%dma_start3A_670 : memref<64x128xf32, #tpu.memory_space<vmem>>) offsets(%dma_start3A_673 : memref<64xi32, #tpu.memory_space<vmem>>) semaphore(%arg26 : memref<!tpu.dma_semaphore, #tpu.memory_space<semaphore_mem>>)
      } else {
      }
      %mul3A_537 = arith.constant 32 : i32
      %mul3A_538 = arith.muli %add3A_513, %mul3A_537 : i32
      %add3A_539 = arith.addi %mul3A_538, %add3A : i32
      %lt3A_540 = arith.constant 2500 : i32
      %lt3A_541 = arith.cmpi slt, %add3A_539, %lt3A_540 : i32
      %convert_element_type3A_542 = arith.extui %lt3A_541 : i1 to i32
      %cond3A_543 = arith.constant 0 : i32
      %cond3A_544 = arith.cmpi ne, %convert_element_type3A_542, %cond3A_543 : i32
      scf.if %cond3A_544 {
        %dma_wait3A_645 = arith.constant 0 : i32
        %dma_wait3A_646 = arith.constant 0 : i32
        %dma_wait3A_647 = arith.constant 0 : i32
        %dma_wait3A_648 = tpu.memref_slice %arg15[%dma_wait3A_646, %dma_wait3A_647] : memref<128x128xf32, #tpu.memory_space<vmem>> -> memref<64x128xf32, #tpu.memory_space<vmem>>
        %dma_wait3A_649 = arith.constant 0 : i32
        %dma_wait3A_650 = tpu.memref_slice %arg11[%dma_wait3A_645, %dma_wait3A_649] : memref<2x128xi32, #tpu.memory_space<vmem>> -> memref<1x64xi32, #tpu.memory_space<vmem>>
        %dma_wait3A_651 = tpu.memref_squeeze %dma_wait3A_650 : memref<1x64xi32, #tpu.memory_space<vmem>> -> memref<64xi32, #tpu.memory_space<vmem>>
        %dma_wait3A_652 = arith.constant 0 : i32
        %dma_wait3A_653 = arith.constant 0 : i32
        %dma_wait3A_654 = tpu.memref_slice %arg2[%dma_wait3A_652, %dma_wait3A_653] : memref<10000x128xf32, #tpu.memory_space<hbm>> -> memref<10000x128xf32, #tpu.memory_space<hbm>>
        tpu.wait_indirect_dma semaphore(%arg27 : memref<!tpu.dma_semaphore, #tpu.memory_space<semaphore_mem>>) src(%dma_wait3A_654 : memref<10000x128xf32, #tpu.memory_space<hbm>>) dst(%dma_wait3A_648 : memref<64x128xf32, #tpu.memory_space<vmem>>)
        %dma_wait3A_655 = arith.constant 0 : i32
        %dma_wait3A_656 = arith.constant 64 : i32
        %dma_wait3A_657 = arith.constant 0 : i32
        %dma_wait3A_658 = tpu.memref_slice %arg15[%dma_wait3A_656, %dma_wait3A_657] : memref<128x128xf32, #tpu.memory_space<vmem>> -> memref<64x128xf32, #tpu.memory_space<vmem>>
        %dma_wait3A_659 = arith.constant 64 : i32
        %dma_wait3A_660 = tpu.memref_slice %arg11[%dma_wait3A_655, %dma_wait3A_659] : memref<2x128xi32, #tpu.memory_space<vmem>> -> memref<1x64xi32, #tpu.memory_space<vmem>>
        %dma_wait3A_661 = tpu.memref_squeeze %dma_wait3A_660 : memref<1x64xi32, #tpu.memory_space<vmem>> -> memref<64xi32, #tpu.memory_space<vmem>>
        %dma_wait3A_662 = arith.constant 0 : i32
        %dma_wait3A_663 = arith.constant 0 : i32
        %dma_wait3A_664 = tpu.memref_slice %arg2[%dma_wait3A_662, %dma_wait3A_663] : memref<10000x128xf32, #tpu.memory_space<hbm>> -> memref<10000x128xf32, #tpu.memory_space<hbm>>
        tpu.wait_indirect_dma semaphore(%arg27 : memref<!tpu.dma_semaphore, #tpu.memory_space<semaphore_mem>>) src(%dma_wait3A_664 : memref<10000x128xf32, #tpu.memory_space<hbm>>) dst(%dma_wait3A_658 : memref<64x128xf32, #tpu.memory_space<vmem>>)
        %dma_start3A_665 = arith.constant 1 : i32
        %dma_start3A_666 = arith.constant 0 : i32
        %dma_start3A_667 = tpu.memref_slice %arg11[%dma_start3A_665, %dma_start3A_666] : memref<2x128xi32, #tpu.memory_space<vmem>> -> memref<1x128xi32, #tpu.memory_space<vmem>>
        %dma_start3A_668 = tpu.memref_squeeze %dma_start3A_667 : memref<1x128xi32, #tpu.memory_space<vmem>> -> memref<128xi32, #tpu.memory_space<vmem>>
        %dma_start3A_669 = arith.constant 0 : i32
        %dma_start3A_670 = arith.constant 0 : i32
        %dma_start3A_671 = tpu.memref_slice %arg17[%dma_start3A_669, %dma_start3A_670] : memref<10240x128xf32, #tpu.memory_space<vmem_shared>> -> memref<10240x128xf32, #tpu.memory_space<vmem_shared>>
        tpu.enqueue_indirect_dma source(%arg15 : memref<128x128xf32, #tpu.memory_space<vmem>>) target(%dma_start3A_671 : memref<10240x128xf32, #tpu.memory_space<vmem_shared>>) offsets(%dma_start3A_668 : memref<128xi32, #tpu.memory_space<vmem>>) semaphore(%arg29 : memref<!tpu.dma_semaphore, #tpu.memory_space<semaphore_mem>>) {add = true}
      } else {
      }
      %add3A_545 = arith.constant 7 : i32
      %add3A_546 = arith.addi %add3A_513, %add3A_545 : i32
      %mul3A_547 = arith.constant 32 : i32
      %mul3A_548 = arith.muli %add3A_546, %mul3A_547 : i32
      %add3A_549 = arith.addi %mul3A_548, %add3A : i32
      %lt3A_550 = arith.constant 2500 : i32
      %lt3A_551 = arith.cmpi slt, %add3A_549, %lt3A_550 : i32
      %convert_element_type3A_552 = arith.extui %lt3A_551 : i1 to i32
      %cond3A_553 = arith.constant 0 : i32
      %cond3A_554 = arith.cmpi ne, %convert_element_type3A_552, %cond3A_553 : i32
      scf.if %cond3A_554 {
        %add3A_645 = arith.constant 7 : i32
        %add3A_646 = arith.addi %add3A_513, %add3A_645 : i32
        %mul3A_647 = arith.constant 32 : i32
        %mul3A_648 = arith.muli %add3A_646, %mul3A_647 : i32
        %add3A_649 = arith.addi %mul3A_648, %add3A : i32
        %mul3A_650 = arith.constant 128 : i32
        %mul3A_651 = arith.muli %add3A_649, %mul3A_650 : i32
        %multiple_of3A_652 = tpu.assume_multiple %mul3A_651, 128 : i32
        %dma_start3A_653 = arith.constant 0 : i32
        %dma_start3A_654 = tpu.memref_slice %arg3[%dma_start3A_653, %multiple_of3A_652] : memref<2x320000xi32, #tpu.memory_space<hbm>> -> memref<2x128xi32, #tpu.memory_space<hbm>>
        %dma_start3A_655 = arith.constant 0 : i32
        %dma_start3A_656 = tpu.memref_slice %arg3[%dma_start3A_655, %multiple_of3A_652] : memref<2x320000xi32, #tpu.memory_space<hbm>> -> memref<2x128xi32, #tpu.memory_space<hbm>>
        tpu.enqueue_dma source(%dma_start3A_656 : memref<2x128xi32, #tpu.memory_space<hbm>>) target(%arg10 : memref<2x128xi32, #tpu.memory_space<vmem>>) target_semaphore(%arg22 : memref<!tpu.dma_semaphore, #tpu.memory_space<semaphore_mem>>)
      } else {
      }
      %mul3A_555 = arith.constant 8 : i32
      %mul3A_556 = arith.muli %scan3A_290, %mul3A_555 : i32
      %add3A_557 = arith.constant 6 : i32
      %add3A_558 = arith.addi %mul3A_556, %add3A_557 : i32
      %ge3A_559 = arith.constant 1 : i32
      %ge3A_560 = arith.cmpi sge, %add3A_558, %ge3A_559 : i32
      %sub3A_561 = arith.constant 1 : i32
      %sub3A_562 = arith.subi %add3A_558, %sub3A_561 : i32
      %mul3A_563 = arith.constant 32 : i32
      %mul3A_564 = arith.muli %sub3A_562, %mul3A_563 : i32
      %add3A_565 = arith.addi %mul3A_564, %add3A : i32
      %lt3A_566 = arith.constant 2500 : i32
      %lt3A_567 = arith.cmpi slt, %add3A_565, %lt3A_566 : i32
      %and3A_568 = arith.andi %ge3A_560, %lt3A_567 : i1
      %convert_element_type3A_569 = arith.extui %and3A_568 : i1 to i32
      %cond3A_570 = arith.constant 0 : i32
      %cond3A_571 = arith.cmpi ne, %convert_element_type3A_569, %cond3A_570 : i32
      scf.if %cond3A_571 {
        %dma_wait3A_645 = arith.constant 1 : i32
        %dma_wait3A_646 = arith.constant 0 : i32
        %dma_wait3A_647 = tpu.memref_slice %arg11[%dma_wait3A_645, %dma_wait3A_646] : memref<2x128xi32, #tpu.memory_space<vmem>> -> memref<1x128xi32, #tpu.memory_space<vmem>>
        %dma_wait3A_648 = tpu.memref_squeeze %dma_wait3A_647 : memref<1x128xi32, #tpu.memory_space<vmem>> -> memref<128xi32, #tpu.memory_space<vmem>>
        %dma_wait3A_649 = arith.constant 0 : i32
        %dma_wait3A_650 = arith.constant 0 : i32
        %dma_wait3A_651 = tpu.memref_slice %arg17[%dma_wait3A_649, %dma_wait3A_650] : memref<10240x128xf32, #tpu.memory_space<vmem_shared>> -> memref<10240x128xf32, #tpu.memory_space<vmem_shared>>
        tpu.wait_indirect_dma semaphore(%arg29 : memref<!tpu.dma_semaphore, #tpu.memory_space<semaphore_mem>>) src(%arg15 : memref<128x128xf32, #tpu.memory_space<vmem>>) dst(%dma_wait3A_651 : memref<10240x128xf32, #tpu.memory_space<vmem_shared>>)
      } else {
      }
      %add3A_572 = arith.constant 1 : i32
      %add3A_573 = arith.addi %add3A_558, %add3A_572 : i32
      %mul3A_574 = arith.constant 32 : i32
      %mul3A_575 = arith.muli %add3A_573, %mul3A_574 : i32
      %add3A_576 = arith.addi %mul3A_575, %add3A : i32
      %lt3A_577 = arith.constant 2500 : i32
      %lt3A_578 = arith.cmpi slt, %add3A_576, %lt3A_577 : i32
      %convert_element_type3A_579 = arith.extui %lt3A_578 : i1 to i32
      %cond3A_580 = arith.constant 0 : i32
      %cond3A_581 = arith.cmpi ne, %convert_element_type3A_579, %cond3A_580 : i32
      scf.if %cond3A_581 {
        %add3A_645 = arith.constant 1 : i32
        %add3A_646 = arith.addi %add3A_558, %add3A_645 : i32
        %mul3A_647 = arith.constant 32 : i32
        %mul3A_648 = arith.muli %add3A_646, %mul3A_647 : i32
        %add3A_649 = arith.addi %mul3A_648, %add3A : i32
        %mul3A_650 = arith.constant 128 : i32
        %mul3A_651 = arith.muli %add3A_649, %mul3A_650 : i32
        %multiple_of3A_652 = tpu.assume_multiple %mul3A_651, 128 : i32
        %dma_wait3A_653 = arith.constant 0 : i32
        %dma_wait3A_654 = tpu.memref_slice %arg3[%dma_wait3A_653, %multiple_of3A_652] : memref<2x320000xi32, #tpu.memory_space<hbm>> -> memref<2x128xi32, #tpu.memory_space<hbm>>
        %dma_wait3A_655 = arith.constant 0 : i32
        %dma_wait3A_656 = tpu.memref_slice %arg3[%dma_wait3A_655, %multiple_of3A_652] : memref<2x320000xi32, #tpu.memory_space<hbm>> -> memref<2x128xi32, #tpu.memory_space<hbm>>
        tpu.wait_dma2 semaphore(%arg25 : memref<!tpu.dma_semaphore, #tpu.memory_space<semaphore_mem>>) src(%dma_wait3A_656 : memref<2x128xi32, #tpu.memory_space<hbm>>) dst(%arg13 : memref<2x128xi32, #tpu.memory_space<vmem>>)
        %dma_start3A_657 = arith.constant 0 : i32
        %dma_start3A_658 = arith.constant 0 : i32
        %dma_start3A_659 = arith.constant 0 : i32
        %dma_start3A_660 = tpu.memref_slice %arg15[%dma_start3A_658, %dma_start3A_659] : memref<128x128xf32, #tpu.memory_space<vmem>> -> memref<64x128xf32, #tpu.memory_space<vmem>>
        %dma_start3A_661 = arith.constant 0 : i32
        %dma_start3A_662 = tpu.memref_slice %arg13[%dma_start3A_657, %dma_start3A_661] : memref<2x128xi32, #tpu.memory_space<vmem>> -> memref<1x64xi32, #tpu.memory_space<vmem>>
        %dma_start3A_663 = tpu.memref_squeeze %dma_start3A_662 : memref<1x64xi32, #tpu.memory_space<vmem>> -> memref<64xi32, #tpu.memory_space<vmem>>
        %dma_start3A_664 = arith.constant 0 : i32
        %dma_start3A_665 = arith.constant 0 : i32
        %dma_start3A_666 = tpu.memref_slice %arg2[%dma_start3A_664, %dma_start3A_665] : memref<10000x128xf32, #tpu.memory_space<hbm>> -> memref<10000x128xf32, #tpu.memory_space<hbm>>
        tpu.enqueue_indirect_dma source(%dma_start3A_666 : memref<10000x128xf32, #tpu.memory_space<hbm>>) target(%dma_start3A_660 : memref<64x128xf32, #tpu.memory_space<vmem>>) offsets(%dma_start3A_663 : memref<64xi32, #tpu.memory_space<vmem>>) semaphore(%arg27 : memref<!tpu.dma_semaphore, #tpu.memory_space<semaphore_mem>>)
        %dma_start3A_667 = arith.constant 0 : i32
        %dma_start3A_668 = arith.constant 64 : i32
        %dma_start3A_669 = arith.constant 0 : i32
        %dma_start3A_670 = tpu.memref_slice %arg15[%dma_start3A_668, %dma_start3A_669] : memref<128x128xf32, #tpu.memory_space<vmem>> -> memref<64x128xf32, #tpu.memory_space<vmem>>
        %dma_start3A_671 = arith.constant 64 : i32
        %dma_start3A_672 = tpu.memref_slice %arg13[%dma_start3A_667, %dma_start3A_671] : memref<2x128xi32, #tpu.memory_space<vmem>> -> memref<1x64xi32, #tpu.memory_space<vmem>>
        %dma_start3A_673 = tpu.memref_squeeze %dma_start3A_672 : memref<1x64xi32, #tpu.memory_space<vmem>> -> memref<64xi32, #tpu.memory_space<vmem>>
        %dma_start3A_674 = arith.constant 0 : i32
        %dma_start3A_675 = arith.constant 0 : i32
        %dma_start3A_676 = tpu.memref_slice %arg2[%dma_start3A_674, %dma_start3A_675] : memref<10000x128xf32, #tpu.memory_space<hbm>> -> memref<10000x128xf32, #tpu.memory_space<hbm>>
        tpu.enqueue_indirect_dma source(%dma_start3A_676 : memref<10000x128xf32, #tpu.memory_space<hbm>>) target(%dma_start3A_670 : memref<64x128xf32, #tpu.memory_space<vmem>>) offsets(%dma_start3A_673 : memref<64xi32, #tpu.memory_space<vmem>>) semaphore(%arg27 : memref<!tpu.dma_semaphore, #tpu.memory_space<semaphore_mem>>)
      } else {
      }
      %mul3A_582 = arith.constant 32 : i32
      %mul3A_583 = arith.muli %add3A_558, %mul3A_582 : i32
      %add3A_584 = arith.addi %mul3A_583, %add3A : i32
      %lt3A_585 = arith.constant 2500 : i32
      %lt3A_586 = arith.cmpi slt, %add3A_584, %lt3A_585 : i32
      %convert_element_type3A_587 = arith.extui %lt3A_586 : i1 to i32
      %cond3A_588 = arith.constant 0 : i32
      %cond3A_589 = arith.cmpi ne, %convert_element_type3A_587, %cond3A_588 : i32
      scf.if %cond3A_589 {
        %dma_wait3A_645 = arith.constant 0 : i32
        %dma_wait3A_646 = arith.constant 0 : i32
        %dma_wait3A_647 = arith.constant 0 : i32
        %dma_wait3A_648 = tpu.memref_slice %arg14[%dma_wait3A_646, %dma_wait3A_647] : memref<128x128xf32, #tpu.memory_space<vmem>> -> memref<64x128xf32, #tpu.memory_space<vmem>>
        %dma_wait3A_649 = arith.constant 0 : i32
        %dma_wait3A_650 = tpu.memref_slice %arg12[%dma_wait3A_645, %dma_wait3A_649] : memref<2x128xi32, #tpu.memory_space<vmem>> -> memref<1x64xi32, #tpu.memory_space<vmem>>
        %dma_wait3A_651 = tpu.memref_squeeze %dma_wait3A_650 : memref<1x64xi32, #tpu.memory_space<vmem>> -> memref<64xi32, #tpu.memory_space<vmem>>
        %dma_wait3A_652 = arith.constant 0 : i32
        %dma_wait3A_653 = arith.constant 0 : i32
        %dma_wait3A_654 = tpu.memref_slice %arg2[%dma_wait3A_652, %dma_wait3A_653] : memref<10000x128xf32, #tpu.memory_space<hbm>> -> memref<10000x128xf32, #tpu.memory_space<hbm>>
        tpu.wait_indirect_dma semaphore(%arg26 : memref<!tpu.dma_semaphore, #tpu.memory_space<semaphore_mem>>) src(%dma_wait3A_654 : memref<10000x128xf32, #tpu.memory_space<hbm>>) dst(%dma_wait3A_648 : memref<64x128xf32, #tpu.memory_space<vmem>>)
        %dma_wait3A_655 = arith.constant 0 : i32
        %dma_wait3A_656 = arith.constant 64 : i32
        %dma_wait3A_657 = arith.constant 0 : i32
        %dma_wait3A_658 = tpu.memref_slice %arg14[%dma_wait3A_656, %dma_wait3A_657] : memref<128x128xf32, #tpu.memory_space<vmem>> -> memref<64x128xf32, #tpu.memory_space<vmem>>
        %dma_wait3A_659 = arith.constant 64 : i32
        %dma_wait3A_660 = tpu.memref_slice %arg12[%dma_wait3A_655, %dma_wait3A_659] : memref<2x128xi32, #tpu.memory_space<vmem>> -> memref<1x64xi32, #tpu.memory_space<vmem>>
        %dma_wait3A_661 = tpu.memref_squeeze %dma_wait3A_660 : memref<1x64xi32, #tpu.memory_space<vmem>> -> memref<64xi32, #tpu.memory_space<vmem>>
        %dma_wait3A_662 = arith.constant 0 : i32
        %dma_wait3A_663 = arith.constant 0 : i32
        %dma_wait3A_664 = tpu.memref_slice %arg2[%dma_wait3A_662, %dma_wait3A_663] : memref<10000x128xf32, #tpu.memory_space<hbm>> -> memref<10000x128xf32, #tpu.memory_space<hbm>>
        tpu.wait_indirect_dma semaphore(%arg26 : memref<!tpu.dma_semaphore, #tpu.memory_space<semaphore_mem>>) src(%dma_wait3A_664 : memref<10000x128xf32, #tpu.memory_space<hbm>>) dst(%dma_wait3A_658 : memref<64x128xf32, #tpu.memory_space<vmem>>)
        %dma_start3A_665 = arith.constant 1 : i32
        %dma_start3A_666 = arith.constant 0 : i32
        %dma_start3A_667 = tpu.memref_slice %arg12[%dma_start3A_665, %dma_start3A_666] : memref<2x128xi32, #tpu.memory_space<vmem>> -> memref<1x128xi32, #tpu.memory_space<vmem>>
        %dma_start3A_668 = tpu.memref_squeeze %dma_start3A_667 : memref<1x128xi32, #tpu.memory_space<vmem>> -> memref<128xi32, #tpu.memory_space<vmem>>
        %dma_start3A_669 = arith.constant 0 : i32
        %dma_start3A_670 = arith.constant 0 : i32
        %dma_start3A_671 = tpu.memref_slice %arg17[%dma_start3A_669, %dma_start3A_670] : memref<10240x128xf32, #tpu.memory_space<vmem_shared>> -> memref<10240x128xf32, #tpu.memory_space<vmem_shared>>
        tpu.enqueue_indirect_dma source(%arg14 : memref<128x128xf32, #tpu.memory_space<vmem>>) target(%dma_start3A_671 : memref<10240x128xf32, #tpu.memory_space<vmem_shared>>) offsets(%dma_start3A_668 : memref<128xi32, #tpu.memory_space<vmem>>) semaphore(%arg28 : memref<!tpu.dma_semaphore, #tpu.memory_space<semaphore_mem>>) {add = true}
      } else {
      }
      %add3A_590 = arith.constant 7 : i32
      %add3A_591 = arith.addi %add3A_558, %add3A_590 : i32
      %mul3A_592 = arith.constant 32 : i32
      %mul3A_593 = arith.muli %add3A_591, %mul3A_592 : i32
      %add3A_594 = arith.addi %mul3A_593, %add3A : i32
      %lt3A_595 = arith.constant 2500 : i32
      %lt3A_596 = arith.cmpi slt, %add3A_594, %lt3A_595 : i32
      %convert_element_type3A_597 = arith.extui %lt3A_596 : i1 to i32
      %cond3A_598 = arith.constant 0 : i32
      %cond3A_599 = arith.cmpi ne, %convert_element_type3A_597, %cond3A_598 : i32
      scf.if %cond3A_599 {
        %add3A_645 = arith.constant 7 : i32
        %add3A_646 = arith.addi %add3A_558, %add3A_645 : i32
        %mul3A_647 = arith.constant 32 : i32
        %mul3A_648 = arith.muli %add3A_646, %mul3A_647 : i32
        %add3A_649 = arith.addi %mul3A_648, %add3A : i32
        %mul3A_650 = arith.constant 128 : i32
        %mul3A_651 = arith.muli %add3A_649, %mul3A_650 : i32
        %multiple_of3A_652 = tpu.assume_multiple %mul3A_651, 128 : i32
        %dma_start3A_653 = arith.constant 0 : i32
        %dma_start3A_654 = tpu.memref_slice %arg3[%dma_start3A_653, %multiple_of3A_652] : memref<2x320000xi32, #tpu.memory_space<hbm>> -> memref<2x128xi32, #tpu.memory_space<hbm>>
        %dma_start3A_655 = arith.constant 0 : i32
        %dma_start3A_656 = tpu.memref_slice %arg3[%dma_start3A_655, %multiple_of3A_652] : memref<2x320000xi32, #tpu.memory_space<hbm>> -> memref<2x128xi32, #tpu.memory_space<hbm>>
        tpu.enqueue_dma source(%dma_start3A_656 : memref<2x128xi32, #tpu.memory_space<hbm>>) target(%arg11 : memref<2x128xi32, #tpu.memory_space<vmem>>) target_semaphore(%arg23 : memref<!tpu.dma_semaphore, #tpu.memory_space<semaphore_mem>>)
      } else {
      }
      %mul3A_600 = arith.constant 8 : i32
      %mul3A_601 = arith.muli %scan3A_290, %mul3A_600 : i32
      %add3A_602 = arith.constant 7 : i32
      %add3A_603 = arith.addi %mul3A_601, %add3A_602 : i32
      %ge3A_604 = arith.constant 1 : i32
      %ge3A_605 = arith.cmpi sge, %add3A_603, %ge3A_604 : i32
      %sub3A_606 = arith.constant 1 : i32
      %sub3A_607 = arith.subi %add3A_603, %sub3A_606 : i32
      %mul3A_608 = arith.constant 32 : i32
      %mul3A_609 = arith.muli %sub3A_607, %mul3A_608 : i32
      %add3A_610 = arith.addi %mul3A_609, %add3A : i32
      %lt3A_611 = arith.constant 2500 : i32
      %lt3A_612 = arith.cmpi slt, %add3A_610, %lt3A_611 : i32
      %and3A_613 = arith.andi %ge3A_605, %lt3A_612 : i1
      %convert_element_type3A_614 = arith.extui %and3A_613 : i1 to i32
      %cond3A_615 = arith.constant 0 : i32
      %cond3A_616 = arith.cmpi ne, %convert_element_type3A_614, %cond3A_615 : i32
      scf.if %cond3A_616 {
        %dma_wait3A_645 = arith.constant 1 : i32
        %dma_wait3A_646 = arith.constant 0 : i32
        %dma_wait3A_647 = tpu.memref_slice %arg12[%dma_wait3A_645, %dma_wait3A_646] : memref<2x128xi32, #tpu.memory_space<vmem>> -> memref<1x128xi32, #tpu.memory_space<vmem>>
        %dma_wait3A_648 = tpu.memref_squeeze %dma_wait3A_647 : memref<1x128xi32, #tpu.memory_space<vmem>> -> memref<128xi32, #tpu.memory_space<vmem>>
        %dma_wait3A_649 = arith.constant 0 : i32
        %dma_wait3A_650 = arith.constant 0 : i32
        %dma_wait3A_651 = tpu.memref_slice %arg17[%dma_wait3A_649, %dma_wait3A_650] : memref<10240x128xf32, #tpu.memory_space<vmem_shared>> -> memref<10240x128xf32, #tpu.memory_space<vmem_shared>>
        tpu.wait_indirect_dma semaphore(%arg28 : memref<!tpu.dma_semaphore, #tpu.memory_space<semaphore_mem>>) src(%arg14 : memref<128x128xf32, #tpu.memory_space<vmem>>) dst(%dma_wait3A_651 : memref<10240x128xf32, #tpu.memory_space<vmem_shared>>)
      } else {
      }
      %add3A_617 = arith.constant 1 : i32
      %add3A_618 = arith.addi %add3A_603, %add3A_617 : i32
      %mul3A_619 = arith.constant 32 : i32
      %mul3A_620 = arith.muli %add3A_618, %mul3A_619 : i32
      %add3A_621 = arith.addi %mul3A_620, %add3A : i32
      %lt3A_622 = arith.constant 2500 : i32
      %lt3A_623 = arith.cmpi slt, %add3A_621, %lt3A_622 : i32
      %convert_element_type3A_624 = arith.extui %lt3A_623 : i1 to i32
      %cond3A_625 = arith.constant 0 : i32
      %cond3A_626 = arith.cmpi ne, %convert_element_type3A_624, %cond3A_625 : i32
      scf.if %cond3A_626 {
        %add3A_645 = arith.constant 1 : i32
        %add3A_646 = arith.addi %add3A_603, %add3A_645 : i32
        %mul3A_647 = arith.constant 32 : i32
        %mul3A_648 = arith.muli %add3A_646, %mul3A_647 : i32
        %add3A_649 = arith.addi %mul3A_648, %add3A : i32
        %mul3A_650 = arith.constant 128 : i32
        %mul3A_651 = arith.muli %add3A_649, %mul3A_650 : i32
        %multiple_of3A_652 = tpu.assume_multiple %mul3A_651, 128 : i32
        %dma_wait3A_653 = arith.constant 0 : i32
        %dma_wait3A_654 = tpu.memref_slice %arg3[%dma_wait3A_653, %multiple_of3A_652] : memref<2x320000xi32, #tpu.memory_space<hbm>> -> memref<2x128xi32, #tpu.memory_space<hbm>>
        %dma_wait3A_655 = arith.constant 0 : i32
        %dma_wait3A_656 = tpu.memref_slice %arg3[%dma_wait3A_655, %multiple_of3A_652] : memref<2x320000xi32, #tpu.memory_space<hbm>> -> memref<2x128xi32, #tpu.memory_space<hbm>>
        tpu.wait_dma2 semaphore(%arg18 : memref<!tpu.dma_semaphore, #tpu.memory_space<semaphore_mem>>) src(%dma_wait3A_656 : memref<2x128xi32, #tpu.memory_space<hbm>>) dst(%arg6 : memref<2x128xi32, #tpu.memory_space<vmem>>)
        %dma_start3A_657 = arith.constant 0 : i32
        %dma_start3A_658 = arith.constant 0 : i32
        %dma_start3A_659 = arith.constant 0 : i32
        %dma_start3A_660 = tpu.memref_slice %arg14[%dma_start3A_658, %dma_start3A_659] : memref<128x128xf32, #tpu.memory_space<vmem>> -> memref<64x128xf32, #tpu.memory_space<vmem>>
        %dma_start3A_661 = arith.constant 0 : i32
        %dma_start3A_662 = tpu.memref_slice %arg6[%dma_start3A_657, %dma_start3A_661] : memref<2x128xi32, #tpu.memory_space<vmem>> -> memref<1x64xi32, #tpu.memory_space<vmem>>
        %dma_start3A_663 = tpu.memref_squeeze %dma_start3A_662 : memref<1x64xi32, #tpu.memory_space<vmem>> -> memref<64xi32, #tpu.memory_space<vmem>>
        %dma_start3A_664 = arith.constant 0 : i32
        %dma_start3A_665 = arith.constant 0 : i32
        %dma_start3A_666 = tpu.memref_slice %arg2[%dma_start3A_664, %dma_start3A_665] : memref<10000x128xf32, #tpu.memory_space<hbm>> -> memref<10000x128xf32, #tpu.memory_space<hbm>>
        tpu.enqueue_indirect_dma source(%dma_start3A_666 : memref<10000x128xf32, #tpu.memory_space<hbm>>) target(%dma_start3A_660 : memref<64x128xf32, #tpu.memory_space<vmem>>) offsets(%dma_start3A_663 : memref<64xi32, #tpu.memory_space<vmem>>) semaphore(%arg26 : memref<!tpu.dma_semaphore, #tpu.memory_space<semaphore_mem>>)
        %dma_start3A_667 = arith.constant 0 : i32
        %dma_start3A_668 = arith.constant 64 : i32
        %dma_start3A_669 = arith.constant 0 : i32
        %dma_start3A_670 = tpu.memref_slice %arg14[%dma_start3A_668, %dma_start3A_669] : memref<128x128xf32, #tpu.memory_space<vmem>> -> memref<64x128xf32, #tpu.memory_space<vmem>>
        %dma_start3A_671 = arith.constant 64 : i32
        %dma_start3A_672 = tpu.memref_slice %arg6[%dma_start3A_667, %dma_start3A_671] : memref<2x128xi32, #tpu.memory_space<vmem>> -> memref<1x64xi32, #tpu.memory_space<vmem>>
        %dma_start3A_673 = tpu.memref_squeeze %dma_start3A_672 : memref<1x64xi32, #tpu.memory_space<vmem>> -> memref<64xi32, #tpu.memory_space<vmem>>
        %dma_start3A_674 = arith.constant 0 : i32
        %dma_start3A_675 = arith.constant 0 : i32
        %dma_start3A_676 = tpu.memref_slice %arg2[%dma_start3A_674, %dma_start3A_675] : memref<10000x128xf32, #tpu.memory_space<hbm>> -> memref<10000x128xf32, #tpu.memory_space<hbm>>
        tpu.enqueue_indirect_dma source(%dma_start3A_676 : memref<10000x128xf32, #tpu.memory_space<hbm>>) target(%dma_start3A_670 : memref<64x128xf32, #tpu.memory_space<vmem>>) offsets(%dma_start3A_673 : memref<64xi32, #tpu.memory_space<vmem>>) semaphore(%arg26 : memref<!tpu.dma_semaphore, #tpu.memory_space<semaphore_mem>>)
      } else {
      }
      %mul3A_627 = arith.constant 32 : i32
      %mul3A_628 = arith.muli %add3A_603, %mul3A_627 : i32
      %add3A_629 = arith.addi %mul3A_628, %add3A : i32
      %lt3A_630 = arith.constant 2500 : i32
      %lt3A_631 = arith.cmpi slt, %add3A_629, %lt3A_630 : i32
      %convert_element_type3A_632 = arith.extui %lt3A_631 : i1 to i32
      %cond3A_633 = arith.constant 0 : i32
      %cond3A_634 = arith.cmpi ne, %convert_element_type3A_632, %cond3A_633 : i32
      scf.if %cond3A_634 {
        %dma_wait3A_645 = arith.constant 0 : i32
        %dma_wait3A_646 = arith.constant 0 : i32
        %dma_wait3A_647 = arith.constant 0 : i32
        %dma_wait3A_648 = tpu.memref_slice %arg15[%dma_wait3A_646, %dma_wait3A_647] : memref<128x128xf32, #tpu.memory_space<vmem>> -> memref<64x128xf32, #tpu.memory_space<vmem>>
        %dma_wait3A_649 = arith.constant 0 : i32
        %dma_wait3A_650 = tpu.memref_slice %arg13[%dma_wait3A_645, %dma_wait3A_649] : memref<2x128xi32, #tpu.memory_space<vmem>> -> memref<1x64xi32, #tpu.memory_space<vmem>>
        %dma_wait3A_651 = tpu.memref_squeeze %dma_wait3A_650 : memref<1x64xi32, #tpu.memory_space<vmem>> -> memref<64xi32, #tpu.memory_space<vmem>>
        %dma_wait3A_652 = arith.constant 0 : i32
        %dma_wait3A_653 = arith.constant 0 : i32
        %dma_wait3A_654 = tpu.memref_slice %arg2[%dma_wait3A_652, %dma_wait3A_653] : memref<10000x128xf32, #tpu.memory_space<hbm>> -> memref<10000x128xf32, #tpu.memory_space<hbm>>
        tpu.wait_indirect_dma semaphore(%arg27 : memref<!tpu.dma_semaphore, #tpu.memory_space<semaphore_mem>>) src(%dma_wait3A_654 : memref<10000x128xf32, #tpu.memory_space<hbm>>) dst(%dma_wait3A_648 : memref<64x128xf32, #tpu.memory_space<vmem>>)
        %dma_wait3A_655 = arith.constant 0 : i32
        %dma_wait3A_656 = arith.constant 64 : i32
        %dma_wait3A_657 = arith.constant 0 : i32
        %dma_wait3A_658 = tpu.memref_slice %arg15[%dma_wait3A_656, %dma_wait3A_657] : memref<128x128xf32, #tpu.memory_space<vmem>> -> memref<64x128xf32, #tpu.memory_space<vmem>>
        %dma_wait3A_659 = arith.constant 64 : i32
        %dma_wait3A_660 = tpu.memref_slice %arg13[%dma_wait3A_655, %dma_wait3A_659] : memref<2x128xi32, #tpu.memory_space<vmem>> -> memref<1x64xi32, #tpu.memory_space<vmem>>
        %dma_wait3A_661 = tpu.memref_squeeze %dma_wait3A_660 : memref<1x64xi32, #tpu.memory_space<vmem>> -> memref<64xi32, #tpu.memory_space<vmem>>
        %dma_wait3A_662 = arith.constant 0 : i32
        %dma_wait3A_663 = arith.constant 0 : i32
        %dma_wait3A_664 = tpu.memref_slice %arg2[%dma_wait3A_662, %dma_wait3A_663] : memref<10000x128xf32, #tpu.memory_space<hbm>> -> memref<10000x128xf32, #tpu.memory_space<hbm>>
        tpu.wait_indirect_dma semaphore(%arg27 : memref<!tpu.dma_semaphore, #tpu.memory_space<semaphore_mem>>) src(%dma_wait3A_664 : memref<10000x128xf32, #tpu.memory_space<hbm>>) dst(%dma_wait3A_658 : memref<64x128xf32, #tpu.memory_space<vmem>>)
        %dma_start3A_665 = arith.constant 1 : i32
        %dma_start3A_666 = arith.constant 0 : i32
        %dma_start3A_667 = tpu.memref_slice %arg13[%dma_start3A_665, %dma_start3A_666] : memref<2x128xi32, #tpu.memory_space<vmem>> -> memref<1x128xi32, #tpu.memory_space<vmem>>
        %dma_start3A_668 = tpu.memref_squeeze %dma_start3A_667 : memref<1x128xi32, #tpu.memory_space<vmem>> -> memref<128xi32, #tpu.memory_space<vmem>>
        %dma_start3A_669 = arith.constant 0 : i32
        %dma_start3A_670 = arith.constant 0 : i32
        %dma_start3A_671 = tpu.memref_slice %arg17[%dma_start3A_669, %dma_start3A_670] : memref<10240x128xf32, #tpu.memory_space<vmem_shared>> -> memref<10240x128xf32, #tpu.memory_space<vmem_shared>>
        tpu.enqueue_indirect_dma source(%arg15 : memref<128x128xf32, #tpu.memory_space<vmem>>) target(%dma_start3A_671 : memref<10240x128xf32, #tpu.memory_space<vmem_shared>>) offsets(%dma_start3A_668 : memref<128xi32, #tpu.memory_space<vmem>>) semaphore(%arg29 : memref<!tpu.dma_semaphore, #tpu.memory_space<semaphore_mem>>) {add = true}
      } else {
      }
      %add3A_635 = arith.constant 7 : i32
      %add3A_636 = arith.addi %add3A_603, %add3A_635 : i32
      %mul3A_637 = arith.constant 32 : i32
      %mul3A_638 = arith.muli %add3A_636, %mul3A_637 : i32
      %add3A_639 = arith.addi %mul3A_638, %add3A : i32
      %lt3A_640 = arith.constant 2500 : i32
      %lt3A_641 = arith.cmpi slt, %add3A_639, %lt3A_640 : i32
      %convert_element_type3A_642 = arith.extui %lt3A_641 : i1 to i32
      %cond3A_643 = arith.constant 0 : i32
      %cond3A_644 = arith.cmpi ne, %convert_element_type3A_642, %cond3A_643 : i32
      scf.if %cond3A_644 {
        %add3A_645 = arith.constant 7 : i32
        %add3A_646 = arith.addi %add3A_603, %add3A_645 : i32
        %mul3A_647 = arith.constant 32 : i32
        %mul3A_648 = arith.muli %add3A_646, %mul3A_647 : i32
        %add3A_649 = arith.addi %mul3A_648, %add3A : i32
        %mul3A_650 = arith.constant 128 : i32
        %mul3A_651 = arith.muli %add3A_649, %mul3A_650 : i32
        %multiple_of3A_652 = tpu.assume_multiple %mul3A_651, 128 : i32
        %dma_start3A_653 = arith.constant 0 : i32
        %dma_start3A_654 = tpu.memref_slice %arg3[%dma_start3A_653, %multiple_of3A_652] : memref<2x320000xi32, #tpu.memory_space<hbm>> -> memref<2x128xi32, #tpu.memory_space<hbm>>
        %dma_start3A_655 = arith.constant 0 : i32
        %dma_start3A_656 = tpu.memref_slice %arg3[%dma_start3A_655, %multiple_of3A_652] : memref<2x320000xi32, #tpu.memory_space<hbm>> -> memref<2x128xi32, #tpu.memory_space<hbm>>
        tpu.enqueue_dma source(%dma_start3A_656 : memref<2x128xi32, #tpu.memory_space<hbm>>) target(%arg12 : memref<2x128xi32, #tpu.memory_space<vmem>>) target_semaphore(%arg24 : memref<!tpu.dma_semaphore, #tpu.memory_space<semaphore_mem>>)
      } else {
      }
    }
    %scan3A_288 = arith.constant 11 : i32
    %barrier3A_289 = arith.constant 0 : index
    tpu.barrier barrier_id(%barrier3A_289)
    "tpu.region"() ({
      %run_scoped3A = tpu.sem_alloc : memref<!tpu.dma_semaphore, #tpu.memory_space<semaphore_mem>>
      %dma_start3A_290 = arith.constant 0 : i32
      %dma_start3A_291 = tpu.memref_slice %arg5[%arg0, %mul3A_2, %dma_start3A_290] : memref<2x10240x128xf32, #tpu.memory_space<hbm>> -> memref<1x640x128xf32, #tpu.memory_space<hbm>>
      %dma_start3A_292 = tpu.memref_squeeze %dma_start3A_291 : memref<1x640x128xf32, #tpu.memory_space<hbm>> -> memref<640x128xf32, #tpu.memory_space<hbm>>
      %dma_start3A_293 = arith.constant 0 : i32
      %dma_start3A_294 = tpu.memref_slice %arg17[%mul3A_2, %dma_start3A_293] : memref<10240x128xf32, #tpu.memory_space<vmem_shared>> -> memref<640x128xf32, #tpu.memory_space<vmem_shared>>
      tpu.enqueue_dma source(%dma_start3A_294 : memref<640x128xf32, #tpu.memory_space<vmem_shared>>) target(%dma_start3A_292 : memref<640x128xf32, #tpu.memory_space<hbm>>) target_semaphore(%run_scoped3A : memref<!tpu.dma_semaphore, #tpu.memory_space<semaphore_mem>>)
      %dma_wait3A_295 = arith.constant 0 : i32
      %dma_wait3A_296 = tpu.memref_slice %arg5[%arg0, %mul3A_2, %dma_wait3A_295] : memref<2x10240x128xf32, #tpu.memory_space<hbm>> -> memref<1x640x128xf32, #tpu.memory_space<hbm>>
      %dma_wait3A_297 = tpu.memref_squeeze %dma_wait3A_296 : memref<1x640x128xf32, #tpu.memory_space<hbm>> -> memref<640x128xf32, #tpu.memory_space<hbm>>
      %dma_wait3A_298 = arith.constant 0 : i32
      %dma_wait3A_299 = tpu.memref_slice %arg17[%mul3A_2, %dma_wait3A_298] : memref<10240x128xf32, #tpu.memory_space<vmem_shared>> -> memref<640x128xf32, #tpu.memory_space<vmem_shared>>
      tpu.wait_dma2 semaphore(%run_scoped3A : memref<!tpu.dma_semaphore, #tpu.memory_space<semaphore_mem>>) src(%dma_wait3A_299 : memref<640x128xf32, #tpu.memory_space<vmem_shared>>) dst(%dma_wait3A_297 : memref<640x128xf32, #tpu.memory_space<hbm>>)
      tpu.yield
    }) : () -> ()
    return
  }
}

module attributes {stable_mosaic.version = 14 : i64} {
  func.func @_ln_relu_body(%arg0: i32, %arg1: memref<5000x128xf32, #tpu.memory_space<vmem>>, %arg2: memref<1x128xf32, #tpu.memory_space<vmem>>, %arg3: memref<1x128xf32, #tpu.memory_space<vmem>>, %arg4: memref<5000x128xf32, #tpu.memory_space<vmem>>) attributes {dimension_semantics = [#tpu.dimension_semantics<arbitrary>], iteration_bounds = array<i64: 2>, scalar_prefetch = 0 : i64, scratch_operands = 0 : i64, tpu.core_type = #tpu.core_type<tc>, window_params = [{transform_indices = @transform_0, window_bounds = array<i64: 5000, 128>}, {pipeline_mode = #tpu.pipeline_mode<synchronous>, transform_indices = @transform_1, window_bounds = array<i64: 1, 128>}, {pipeline_mode = #tpu.pipeline_mode<synchronous>, transform_indices = @transform_2, window_bounds = array<i64: 1, 128>}, {transform_indices = @transform_3, window_bounds = array<i64: 5000, 128>}]} {
    %get3A = arith.constant 0 : index
    %get3A_0 = arith.constant 0 : index
    %get3A_1 = vector.load %arg1[%get3A, %get3A_0] : memref<5000x128xf32, #tpu.memory_space<vmem>>, vector<5000x128xf32>
    %reduce_sum3A = arith.constant dense<0.000000e+00> : vector<5000xf32>
    %reduce_sum3A_2 = vector.multi_reduction <add>, %get3A_1, %reduce_sum3A [1] : vector<5000x128xf32> to vector<5000xf32>
    %broadcast_in_dim3A = vector.shape_cast %reduce_sum3A_2 : vector<5000xf32> to vector<5000x1xf32>
    %div3A = arith.constant 1.280000e+02 : f32
    %div3A_3 = vector.broadcast %div3A : f32 to vector<5000x1xf32>
    %div3A_4 = arith.divf %broadcast_in_dim3A, %div3A_3 : vector<5000x1xf32>
    %sub3A = vector.broadcast %div3A_4 : vector<5000x1xf32> to vector<5000x128xf32>
    %sub3A_5 = arith.subf %get3A_1, %sub3A : vector<5000x128xf32>
    %mul3A = arith.mulf %sub3A_5, %sub3A_5 : vector<5000x128xf32>
    %reduce_sum3A_6 = arith.constant dense<0.000000e+00> : vector<5000xf32>
    %reduce_sum3A_7 = vector.multi_reduction <add>, %mul3A, %reduce_sum3A_6 [1] : vector<5000x128xf32> to vector<5000xf32>
    %broadcast_in_dim3A_8 = vector.shape_cast %reduce_sum3A_7 : vector<5000xf32> to vector<5000x1xf32>
    %div3A_9 = arith.constant 1.280000e+02 : f32
    %div3A_10 = vector.broadcast %div3A_9 : f32 to vector<5000x1xf32>
    %div3A_11 = arith.divf %broadcast_in_dim3A_8, %div3A_10 : vector<5000x1xf32>
    %add3A = arith.constant 9.99999974E-6 : f32
    %add3A_12 = vector.broadcast %add3A : f32 to vector<5000x1xf32>
    %add3A_13 = arith.addf %div3A_11, %add3A_12 : vector<5000x1xf32>
    %rsqrt3A = math.rsqrt %add3A_13 : vector<5000x1xf32>
    %mul3A_14 = vector.broadcast %rsqrt3A : vector<5000x1xf32> to vector<5000x128xf32>
    %mul3A_15 = arith.mulf %sub3A_5, %mul3A_14 : vector<5000x128xf32>
    %get3A_16 = arith.constant 0 : index
    %get3A_17 = arith.constant 0 : index
    %get3A_18 = vector.load %arg2[%get3A_16, %get3A_17] : memref<1x128xf32, #tpu.memory_space<vmem>>, vector<1x128xf32>
    %mul3A_19 = vector.broadcast %get3A_18 : vector<1x128xf32> to vector<5000x128xf32>
    %mul3A_20 = arith.mulf %mul3A_15, %mul3A_19 : vector<5000x128xf32>
    %get3A_21 = arith.constant 0 : index
    %get3A_22 = arith.constant 0 : index
    %get3A_23 = vector.load %arg3[%get3A_21, %get3A_22] : memref<1x128xf32, #tpu.memory_space<vmem>>, vector<1x128xf32>
    %add3A_24 = vector.broadcast %get3A_23 : vector<1x128xf32> to vector<5000x128xf32>
    %add3A_25 = arith.addf %mul3A_20, %add3A_24 : vector<5000x128xf32>
    %max3A = arith.constant 0.000000e+00 : f32
    %max3A_26 = vector.broadcast %max3A : f32 to vector<5000x128xf32>
    %max3A_27 = arith.maximumf %add3A_25, %max3A_26 : vector<5000x128xf32>
    %swap3A = arith.constant 0 : index
    %swap3A_28 = arith.constant 0 : index
    %swap3A_29 = vector.load %arg4[%swap3A, %swap3A_28] : memref<5000x128xf32, #tpu.memory_space<vmem>>, vector<5000x128xf32>
    tpu.vector_store %arg4[%swap3A, %swap3A_28], %max3A_27 {strides = array<i32>} : memref<5000x128xf32, #tpu.memory_space<vmem>>, vector<5000x128xf32>,
    return
  }
  func.func @transform_0(%arg0: i32) -> (i32, i32) {
    %c0_i32 = arith.constant 0 : i32
    %c0_i32_0 = arith.constant 0 : i32
    return %arg0, %c0_i32 : i32, i32
  }
  func.func @transform_1(%arg0: i32) -> (i32, i32) {
    %c0_i32 = arith.constant 0 : i32
    %c0_i32_0 = arith.constant 0 : i32
    %c0_i32_1 = arith.constant 0 : i32
    return %c0_i32, %c0_i32_0 : i32, i32
  }
  func.func @transform_2(%arg0: i32) -> (i32, i32) {
    %c0_i32 = arith.constant 0 : i32
    %c0_i32_0 = arith.constant 0 : i32
    %c0_i32_1 = arith.constant 0 : i32
    return %c0_i32, %c0_i32_0 : i32, i32
  }
  func.func @transform_3(%arg0: i32) -> (i32, i32) {
    %c0_i32 = arith.constant 0 : i32
    %c0_i32_0 = arith.constant 0 : i32
    return %arg0, %c0_i32 : i32, i32
  }
}

module attributes {stable_mosaic.version = 14 : i64} {
  func.func @_mm_body(%arg0: i32, %arg1: memref<2x5000x128xf32, #tpu.memory_space<vmem>>, %arg2: memref<5000x128xf32, #tpu.memory_space<vmem>>, %arg3: memref<5000x1xf32, #tpu.memory_space<vmem>>, %arg4: memref<128x128xf32, #tpu.memory_space<vmem>>, %arg5: memref<1x128xf32, #tpu.memory_space<vmem>>, %arg6: memref<5000x128xf32, #tpu.memory_space<vmem>>) attributes {dimension_semantics = [#tpu.dimension_semantics<arbitrary>], iteration_bounds = array<i64: 2>, scalar_prefetch = 0 : i64, scratch_operands = 0 : i64, tpu.core_type = #tpu.core_type<tc>, window_params = [{transform_indices = @transform_0, window_bounds = array<i64: 2, 5000, 128>}, {transform_indices = @transform_1, window_bounds = array<i64: 5000, 128>}, {transform_indices = @transform_2, window_bounds = array<i64: 5000, 1>}, {pipeline_mode = #tpu.pipeline_mode<synchronous>, transform_indices = @transform_3, window_bounds = array<i64: 128, 128>}, {pipeline_mode = #tpu.pipeline_mode<synchronous>, transform_indices = @transform_4, window_bounds = array<i64: 1, 128>}, {transform_indices = @transform_5, window_bounds = array<i64: 5000, 128>}]} {
    %get3A = arith.constant 0 : index
    %get3A_0 = arith.constant 0 : index
    %get3A_1 = arith.constant 0 : index
    %get3A_2 = vector.load %arg1[%get3A, %get3A_0, %get3A_1] : memref<2x5000x128xf32, #tpu.memory_space<vmem>>, vector<1x5000x128xf32>
    %get3A_3 = vector.shape_cast %get3A_2 : vector<1x5000x128xf32> to vector<5000x128xf32>
    %get3A_4 = arith.constant 1 : index
    %get3A_5 = arith.constant 0 : index
    %get3A_6 = arith.constant 0 : index
    %get3A_7 = vector.load %arg1[%get3A_4, %get3A_5, %get3A_6] : memref<2x5000x128xf32, #tpu.memory_space<vmem>>, vector<1x5000x128xf32>
    %get3A_8 = vector.shape_cast %get3A_7 : vector<1x5000x128xf32> to vector<5000x128xf32>
    %add3A = arith.addf %get3A_3, %get3A_8 : vector<5000x128xf32>
    %get3A_9 = arith.constant 0 : index
    %get3A_10 = arith.constant 0 : index
    %get3A_11 = vector.load %arg4[%get3A_9, %get3A_10] : memref<128x128xf32, #tpu.memory_space<vmem>>, vector<128x128xf32>
    %dot_general3A = arith.constant dense<0.000000e+00> : vector<5000x128xf32>
    %dot_general3A_12 = tpu.matmul %add3A, %get3A_11, %dot_general3A {dimension_numbers = #tpu.dot_dimension_numbers<[1], [0], [0], [1], [0, 0, 1, 1], [], []>, transpose_lhs_hint = false} : vector<5000x128xf32>, vector<128x128xf32>, vector<5000x128xf32> -> vector<5000x128xf32>
    %get3A_13 = arith.constant 0 : index
    %get3A_14 = arith.constant 0 : index
    %get3A_15 = vector.load %arg3[%get3A_13, %get3A_14] : memref<5000x1xf32, #tpu.memory_space<vmem>>, vector<5000x1xf32>
    %div3A = vector.broadcast %get3A_15 : vector<5000x1xf32> to vector<5000x128xf32>
    %div3A_16 = arith.divf %dot_general3A_12, %div3A : vector<5000x128xf32>
    %get3A_17 = arith.constant 0 : index
    %get3A_18 = arith.constant 0 : index
    %get3A_19 = vector.load %arg2[%get3A_17, %get3A_18] : memref<5000x128xf32, #tpu.memory_space<vmem>>, vector<5000x128xf32>
    %add3A_20 = arith.addf %get3A_19, %div3A_16 : vector<5000x128xf32>
    %get3A_21 = arith.constant 0 : index
    %get3A_22 = arith.constant 0 : index
    %get3A_23 = vector.load %arg5[%get3A_21, %get3A_22] : memref<1x128xf32, #tpu.memory_space<vmem>>, vector<1x128xf32>
    %add3A_24 = vector.broadcast %get3A_23 : vector<1x128xf32> to vector<5000x128xf32>
    %add3A_25 = arith.addf %add3A_20, %add3A_24 : vector<5000x128xf32>
    %swap3A = arith.constant 0 : index
    %swap3A_26 = arith.constant 0 : index
    %swap3A_27 = vector.load %arg6[%swap3A, %swap3A_26] : memref<5000x128xf32, #tpu.memory_space<vmem>>, vector<5000x128xf32>
    tpu.vector_store %arg6[%swap3A, %swap3A_26], %add3A_25 {strides = array<i32>} : memref<5000x128xf32, #tpu.memory_space<vmem>>, vector<5000x128xf32>,
    return
  }
  func.func @transform_0(%arg0: i32) -> (i32, i32, i32) {
    %c0_i32 = arith.constant 0 : i32
    %c0_i32_0 = arith.constant 0 : i32
    %c0_i32_1 = arith.constant 0 : i32
    return %c0_i32, %arg0, %c0_i32_0 : i32, i32, i32
  }
  func.func @transform_1(%arg0: i32) -> (i32, i32) {
    %c0_i32 = arith.constant 0 : i32
    %c0_i32_0 = arith.constant 0 : i32
    return %arg0, %c0_i32 : i32, i32
  }
  func.func @transform_2(%arg0: i32) -> (i32, i32) {
    %c0_i32 = arith.constant 0 : i32
    %c0_i32_0 = arith.constant 0 : i32
    return %arg0, %c0_i32 : i32, i32
  }
  func.func @transform_3(%arg0: i32) -> (i32, i32) {
    %c0_i32 = arith.constant 0 : i32
    %c0_i32_0 = arith.constant 0 : i32
    %c0_i32_1 = arith.constant 0 : i32
    return %c0_i32, %c0_i32_0 : i32, i32
  }
  func.func @transform_4(%arg0: i32) -> (i32, i32) {
    %c0_i32 = arith.constant 0 : i32
    %c0_i32_0 = arith.constant 0 : i32
    %c0_i32_1 = arith.constant 0 : i32
    return %c0_i32, %c0_i32_0 : i32, i32
  }
  func.func @transform_5(%arg0: i32) -> (i32, i32) {
    %c0_i32 = arith.constant 0 : i32
    %c0_i32_0 = arith.constant 0 : i32
    return %arg0, %c0_i32 : i32, i32
  }
}

</mosaic_0001>

<sc_bundles>
// kernel: kernel.5.cloned.1.call-start
scs
__scs_entry_jumppad:
0x0: {  	(pc) =	sbr.rel $0x88, $3  }
0x1: {  	(tag) =	ssettag $0x0;
	lr =	simm.s32 $0x1  }
0x2: {  	[smem:$0x3F9A] =	sst lr;
	_ =	strace $0xD0000000  }
0x3: {  	_ = 	snop  }
0x4: {  	_ = 	snop  }
0x5: {  	_ = 	snop  }
0x6: {  	_ = 	snop  }
0x7: {  	_ = 	snop  }
__scs_overlays_trampoline_lowered:
0x8: {  	[smem:$0x3FA9] =	sst s0  }
0x9: {  	[smem:$0x3FAA] =	sst s1  }
0xa: {  	[smem:$0x3FAB] =	sst s2  }
0xb: {  	[smem:$0x3FAC] =	sst s3  }
0xc: {  	[smem:$0x3FAD] =	sst s4  }
0xd: {  	[smem:$0x3FAE] =	sst s5  }
0xe: {  	[smem:$0x3FAF] =	sst s6  }
0xf: {  	[smem:$0x3FB0] =	sst s7  }
0x10: {  	[smem:$0x3FB1] =	sst s8  }
0x11: {  	[smem:$0x3FB2] =	sst s9;
	s0 =	simm.s32 @!p0 $0x0  }
0x12: {  	s1 =	sld [smem:$0x3F98];
	s0 =	simm.s32 @p0 $0x1  }
0x13: {  	[smem:$0x3FB3] =	sst s0;
	s0 =	simm.s32 @!p1 $0x0  }
0x14: {  	s2 =	sld [smem:$0x3F97];
	s0 =	simm.s32 @p1 $0x1  }
0x15: {  	[smem:$0x3FB4] =	sst s0;
	s0 =	simm.s32 @!p2 $0x0  }
0x16: {  	s3 =	sld [smem:$0x3FDB];
	s0 =	simm.s32 @p2 $0x1  }
0x17: {  	s4 =	simm.s32 $0x1BF5;
	[smem:$0x3FB6] =	sst s0  }
0x18: {  	s0 =	sld [smem:$0x3F99];
	_ =	swait.ge [sflag:s4], $0x0  }
0x19: {  	s7 =	sld [smem:$0x3F9A]  }
0x1a: {  	s8 =	sadd.s32 $0xFFFFE003, lr  }
0x1b: {  	s9 =	sadd.s32 $0xFFFFFEF7, lr;
	s5 =	simm.s32 $0xFFFFFFFF;
	p2 =	slt.u32 s8, $0xFFFFF086  }
0x1c: {  	p1 =	slt.u32 s9, $0xF7A;
	s5 =	simm.s32 @!p2 $0x0  }
0x1d: {  	s5 =	simm.s32 @p1 $0x1;
	p0 =	seq.s32 s7, s2  }
0x1e: {  	s7 =	smul.u32 @!p0 $0xF7A, s2;
	p2 =	seq.s32 @!p0 s5, $0x0  }
0x1f: {  	s9 =	smul.u32 $0xF7A, s1;
	s8 =	simm.s32 @!p0 $0x1BF5;
	p2 =	por !p2, p0  }
0x20: {  	[sflag:s8] =	ssyncset.s32 @!p0 $0xFFFFF086;
	s6 =	sadd.s32 @!p0 s3, s7;
	s7 =	simm.s32 @!p0 $0x108  }
0x21: {  	s3 =	sadd.s32 s3, s9;
	s6 =	sadd.s32 @!p0 $0x88, s6;
	s7 =	simm.s32 @p2 $0x1082  }
0x22: {  	[simem:s7], [sflag:s8] =	dma.local @!p0 [hbm:s6], $0xF7A  }
0x23: {  	s9 =	sor.u32 $0xD0000000, s2;
	s6 =	simm.s32 $0x108;
	_ =	swait.ge @!p0 [sflag:s8], $0x0  }
0x24: {  	s3 =	sadd.s32 $0x88, s3;
	s6 =	simm.s32 @!p1 $0x1082;
	[sflag:s4] =	ssyncset.s32 $0xFFFFF086  }
0x25: {  	[simem:s6], [sflag:s4] =	dma.local [hbm:s3], $0xF7A  }
0x26: {  	[smem:$0x3F9A] =	sst s1;
	(tag) =	ssettag s2;
	_ =	strace s9  }
0x27: {  	s1 =	sld [smem:$0x3FAA]  }
0x28: {  	s2 =	sld [smem:$0x3FAB]  }
0x29: {  	s4 =	sld [smem:$0x3FAD]  }
0x2a: {  	p0 =	seq.s32 s5, $0x0;
	s5 =	sld [smem:$0x3FAE]  }
0x2b: {  	s6 =	sld [smem:$0x3FAF]  }
0x2c: {  	s7 =	sld [smem:$0x3FB0]  }
0x2d: {  	s3 =	simm.s32 $0x108;
	s8 =	sld [smem:$0x3FB1]  }
0x2e: {  	s3 =	simm.s32 @!p0 $0x1082;
	s9 =	sld [smem:$0x3FB2]  }
0x2f: {  	lr =	sadd.s32 s0, s3;
	s0 =	sld [smem:$0x3FA9]  }
0x30: {  	s3 =	sld [smem:$0x3FAC]  }
0x31: {  	[smem:$0x3FB5] =	sst s10  }
0x32: {  	s10 =	sld [smem:$0x3FB3];
	_ =	sdelay $0x3  }
0x33: {  	p0 =	seq.s32 s10, $0x1;
	s10 =	sld [smem:$0x3FB5];
	_ =	sdelay $0x3  }
0x34: {  	[smem:$0x3FB5] =	sst s10  }
0x35: {  	s10 =	sld [smem:$0x3FB4];
	_ =	sdelay $0x3  }
0x36: {  	p1 =	seq.s32 s10, $0x1;
	s10 =	sld [smem:$0x3FB5];
	_ =	sdelay $0x3  }
0x37: {  	[smem:$0x3FB5] =	sst s10  }
0x38: {  	s10 =	sld [smem:$0x3FB6]  }
0x39: {  	_ = 	snop;
	(pc) =	sbr.ind lr, $3  }
0x3a: {  	_ = 	snop  }
0x3b: {  	_ = 	snop  }
0x3c: {  	p2 =	seq.s32 s10, $0x1;
	s10 =	sld [smem:$0x3FB5]  }
0x3d: {  	_ =	shalt  }
0x3e: {  	_ =	shalt  }
0x3f: {  	_ =	shalt  }
0x40: {  	_ =	shalt  }
0x41: {  	_ =	shalt  }
0x42: {  	_ =	shalt  }
0x43: {  	_ =	shalt  }
0x44: {  	_ =	shalt  }
0x45: {  	_ =	shalt  }
0x46: {  	_ =	shalt  }
0x47: {  	_ =	shalt  }
0x48: {  	_ =	shalt  }
0x49: {  	_ =	shalt  }
0x4a: {  	_ =	shalt  }
0x4b: {  	_ =	shalt  }
0x4c: {  	_ =	shalt  }
0x4d: {  	_ =	shalt  }
0x4e: {  	_ =	shalt  }
0x4f: {  	_ =	shalt  }
0x50: {  	_ =	shalt  }
0x51: {  	_ =	shalt  }
0x52: {  	_ =	shalt  }
0x53: {  	_ =	shalt  }
0x54: {  	_ =	shalt  }
0x55: {  	_ =	shalt  }
0x56: {  	_ =	shalt  }
0x57: {  	_ =	shalt  }
0x58: {  	_ =	shalt  }
0x59: {  	_ =	shalt  }
0x5a: {  	_ =	shalt  }
0x5b: {  	_ =	shalt  }
0x5c: {  	_ =	shalt  }
0x5d: {  	_ =	shalt  }
0x5e: {  	_ =	shalt  }
0x5f: {  	_ =	shalt  }
0x60: {  	_ =	shalt  }
0x61: {  	_ =	shalt  }
0x62: {  	_ =	shalt  }
0x63: {  	_ =	shalt  }
0x64: {  	_ =	shalt  }
0x65: {  	_ =	shalt  }
0x66: {  	_ =	shalt  }
0x67: {  	_ =	shalt  }
0x68: {  	_ =	shalt  }
0x69: {  	_ =	shalt  }
0x6a: {  	_ =	shalt  }
0x6b: {  	_ =	shalt  }
0x6c: {  	_ =	shalt  }
0x6d: {  	_ =	shalt  }
0x6e: {  	_ =	shalt  }
0x6f: {  	_ =	shalt  }
0x70: {  	_ =	shalt  }
0x71: {  	_ =	shalt  }
0x72: {  	_ =	shalt  }
0x73: {  	_ =	shalt  }
0x74: {  	_ =	shalt  }
0x75: {  	_ =	shalt  }
0x76: {  	_ =	shalt  }
0x77: {  	_ =	shalt  }
0x78: {  	_ =	shalt  }
0x79: {  	_ =	shalt  }
0x7a: {  	_ =	shalt  }
0x7b: {  	_ =	shalt  }
0x7c: {  	_ =	shalt  }
0x7d: {  	_ =	shalt  }
0x7e: {  	_ =	shalt  }
0x7f: {  	_ =	shalt  }
0x80: {  	_ =	shalt  }
0x81: {  	_ =	shalt  }
0x82: {  	_ =	shalt  }
0x83: {  	_ =	shalt  }
0x84: {  	_ =	shalt  }
0x85: {  	_ =	shalt  }
0x86: {  	_ =	shalt  }
0x87: {  	_ =	shalt  }
.Lfunc_end0:
.L_simem_size_0:
called_computation_lowered:
.L_overlay_start_0:
0x88: {  	s2 =	sld [smem:$0x3FD9]  }
0x89: {  	s3 =	sld [smem:$0x3FFE];
	_ =	sdelay $0x1  }
0x8a: {  	s1 =	srdreg.scid  }
0x8b: {  	s0 =	sand.u32 $0x1, s1  }
0x8c: {  	s17 =	sshll.u32 s0, $0xA;
	s2 =	sadd.s32 s3, s2  }
0x8d: {  	s2 =	sadd.s32 s2, s17  }
0x8e: {  	[smem:$0x3FC1] =	sst s2  }
0x8f: {  	_ = 	snop  }
0x90: {  	s2 =	sld [smem:$0x3FC8]  }
0x91: {  	s18 =	sld [smem:$0x3FD0];
	(tm) =	ssettm $0x1  }
0x92: {  	s4 =	sld [smem:$0x3FFB];
	_ =	sdelay $0x3  }
0x93: {  	_ =	strace s4  }
0x94: {  	s4 =	sld [smem:$0x3FFC];
	_ =	sdelay $0x3  }
0x95: {  	_ =	strace s4  }
0x96: {  	s4 =	sld [smem:$0x3FFD];
	_ =	sdelay $0x3  }
0x97: {  	_ =	strace s4  }
0x98: {  	_ =	strace $0x8FFFFFFF  }
0x99: {  	s19 =	sld [smem:$0x3FDB];
	_ =	sdelay $0x1  }
0x9a: {  	s5 =	simm.s32 $_scs_section_size  }
0x9b: {  	s6 =	simm.s32 $_size__tile_overlayer_lowered;
	s7 =	simm.s32 $_tile_overlayer_lowered  }
0x9c: {  	s22 =	simm.s32 $0x1BFF;
	s21 =	sshll.u32 s7, $0x1;
	s4 =	sadd.s32 s5, s19  }
0x9d: {  	s8 =	simm.s32 $0x0;
	s20 =	sshll.u32 s6, $0x1;
	s6 =	sadd.s32 s21, s4  }
0x9e: {  	[timem:s8], [sflag:s22] =	dma.local [hbm:s6], s20  }
0x9f: {  	_ =	swait.ge [sflag:s22], s20  }
0xa0: {  	s5 =	ssub.s32 $0x0, s20;
	[sflag:s22] =	ssyncset.done $0x0  }
0xa1: {  	[sflag:s22] =	ssyncadd.s32 s5;
	_ =	sdelay $0x1  }
0xa2: {  	s23 =	simm.s32 $0x1B8B  }
0xa3: {  	_ =	swait.ge [sflag:s23], $0x1  }
0xa4: {  	[sflag:s23] =	ssyncset.done $0x0  }
0xa5: {  	s25 =	simm.s32 $0x1B8E;
	s24 =	sld [smem:$0x3FFE];
	[sflag:s23] =	ssyncadd.s32 $0xFFFFFFFF  }
0xa6: {  	s26 =	simm.s32 $execute0_lowered;
	[smem:$0x3FD2] =	sst s25  }
0xa7: {  	s6 =	sshll.u32 s26, $0x1;
	_ =	strace $0x80000046;
	[dreg:$0x1] =	wrdreg $0xFFFFFFFF  }
0xa8: {  	s28 =	simm.s32 $_size_execute0_lowered;
	s4 =	sadd.s32 s4, s6;
	[dreg:$0x0] =	wrdreg $0x0  }
0xa9: {  	s6 =	sshll.u32 s28, $0x1;
	[dreg:$0x2] =	wrdreg s4  }
0xaa: {  	[dreg:$0x3] =	wrdreg s6  }
0xab: {  	[dreg:$0x4] =	wrdreg $0xC0  }
0xac: {  	_ =	task [dreg:s8], $0x5FFFF  }
0xad: {  	[dreg:$0x1] =	wrdreg $0xFFFFFFFF  }
0xae: {  	[dreg:$0x0] =	wrdreg $0x60  }
0xaf: {  	[dreg:$0x2] =	wrdreg s18  }
0xb0: {  	[dreg:$0x3] =	wrdreg s2  }
0xb1: {  	[dreg:$0x4] =	wrdreg s24  }
0xb2: {  	[dreg:$0x5] =	wrdreg $0x9C000  }
0xb3: {  	[dreg:$0x6] =	wrdreg $0x9  }
0xb4: {  	_ =	task.clear_ibuf [dreg:s8], $0x7FFFF;
	_ =	strace $0x90000046  }
0xb5: {  	s29 =	simm.s32 $0x9;
	_ =	strace $0x80000048  }
0xb6: {  	_ =	swait.ge [sflag:s29], $0x1  }
0xb7: {  	[sflag:s29] =	ssyncadd.s32 $0xFFFFFFFF  }
0xb8: {  	_ =	strace $0x90000048  }
0xb9: {  	_ =	sfence  }
0xba: {  	s30 =	sld [smem:$0x0];
	_ =	sdelay $0x2  }
0xbb: {  	s31 =	sshll.u32 s1, $0xD;
	s1 =	sshrl.u32 s1, $0x2  }
0xbc: {  	s3 =	sand.u32 $0x4000, s31;
	s1 =	sadd.s32 s1, s30  }
0xbd: {  	s0 =	sor.u32 s3, s0;
	s1 =	sshll.u32 s1, $0x11  }
0xbe: {  	s0 =	sor.u32 s1, s0  }
0xbf: {  	s0 =	sadd.s32 $0x8F2B, s0  }
0xc0: {  	[sflag:s0] =	ssyncadd.remote.s32 $0x1  }
0xc1: {  	_ =	sfence.sel $0xFFFF  }
0xc2: {  	[dreg:$0x0] =	wrdreg $0xFFFFFFFF;
	(pc) =	sbr.abs _section_cstart, $3  }
0xc3: {  	[dreg:$0x1] =	wrdreg $0xFFFFFFFF  }
0xc4: {  	_ =	task.clear_ibuf [dreg:s8], $0x2FFFF;
	_ =	strace $0x9FFFFFFF  }
0xc5: {  	(tm) =	ssettm $0x7FFFFFFF  }
tec
execute0_lowered:
.L_overlay_start_1:
0x0: {  	(tag) =	ssettag $0x1  }
0x1: {  	s0 =	rddreg [dreg:$0x0]  }
0x2: {  	s1 =	rddreg [dreg:$0x1]  }
0x3: {  	s4 =	srdreg.scid;
	s10 =	stileid.u32  }
0x4: {  	s2 =	rddreg [dreg:$0x2];
	s4 =	sand.u32 $0x1, s4;
	s6 =	smul.u32 $0x14000, s10  }
0x5: {  	s3 =	rddreg [dreg:$0x3];
	s7 =	simm.s32 $0x0;
	s5 =	smul.u32 $0x140000, s4  }
0x6: {  	[smem:$0x7FF] =	sst s7;
	s21 =	sadd.s32 $0x1C00, s2;
	s14 =	sshll.u32 s10, $0x6  }
0x7: {  	_ =	strace $0x80000047;
	s6 =	sadd.s32 s6, s5;
	s5 =	sshll.u32 s10, $0x1  }
0x8: {  	[dreg:$0x5] =	wrdreg s21;
	s22 =	ssub.s32 $0x2, s4;
	s7 =	sor.u32 s4, s5  }
0x9: {  	[dreg:$0x10] =	wrdreg s14;
	s6 =	sshrl.u32 s6, $0x3;
	s8 =	sshll.u32 s7, $0x5  }
0xa: {  	s9 =	sshrl.u32 s22, $0x1;
	s2 =	sadd.s32 s6, s2;
	s11 =	sadd.s32 s1, s8  }
0xb: {  	s6 =	ssub.s32 s22, s9;
	s2 =	sadd.s32 $0x2000, s2;
	[dreg:$0x6] =	wrdreg s11  }
0xc: {  	s19 =	smax.u32 s6, $0x1;
	[dreg:$0x15] =	wrdreg s2  }
0xd: {  	s24 =	sadd.s32 $0x400, s11;
	[dreg:$0x16] =	wrdreg s19  }
0xe: {  	s25 =	sadd.s32 $0x800, s11;
	[dreg:$0x7] =	wrdreg s24  }
0xf: {  	s23 =	smul.u32 $0x50000, s10;
	s26 =	sadd.s32 $0xC00, s11;
	[dreg:$0x8] =	wrdreg s25  }
0x10: {  	s4 =	sshll.u32 s4, $0x5;
	s28 =	sadd.s32 $0x1000, s11;
	[dreg:$0x9] =	wrdreg s26  }
0x11: {  	s1 =	sadd.s32 s14, s1;
	s31 =	sadd.s32 $0x1400, s11;
	[dreg:$0xa] =	wrdreg s28  }
0x12: {  	s12 =	sadd.s32 $0x1800, s11;
	s1 =	sadd.s32 s4, s1;
	[dreg:$0xb] =	wrdreg s31  }
0x13: {  	s8 =	sshrl.u32 s23, $0x2;
	[dreg:$0xc] =	wrdreg s12;
	s1 =	sadd.s32 $0x1C00, s1  }
0x14: {  	s12 =	sadd.s32 s8, s3;
	[dreg:$0x17] =	wrdreg s1  }
0x15: {  	s8 =	sadd.s32 $0x1400, s12;
	[dreg:$0xd] =	wrdreg s12  }
0x16: {  	s13 =	sadd.s32 $0x2800, s12;
	[dreg:$0xe] =	wrdreg s8  }
0x17: {  	s15 =	sadd.s32 $0x3C00, s12;
	[dreg:$0xf] =	wrdreg s13  }
0x18: {  	s29 =	simm.s32 $0x6800;
	s16 =	sadd.s32 $0x5000, s12;
	[dreg:$0x11] =	wrdreg s15  }
0x19: {  	s30 =	simm.s32 $0x80;
	s17 =	sadd.s32 $0x6400, s12;
	[dreg:$0x12] =	wrdreg s16  }
0x1a: {  	s10 =	ssub.s32 $0x9E4, s7;
	s18 =	sadd.s32 $0x7800, s12;
	[dreg:$0x13] =	wrdreg s17  }
0x1b: {  	s9 =	simm.s32 $0x4;
	s20 =	sadd.s32 $0x8C00, s12;
	[dreg:$0x14] =	wrdreg s18  }
0x1c: {  	s14 =	simm.s32 $0x600;
	s21 =	sadd.s32 $0xA000, s12;
	[dreg:$0x18] =	wrdreg s20  }
0x1d: {  	s6 =	simm.s32 $0xC;
	s22 =	sadd.s32 $0xB400, s12;
	[dreg:$0x19] =	wrdreg s21  }
0x1e: {  	s19 =	simm.s32 $0x800;
	s23 =	sadd.s32 $0xC800, s12;
	[dreg:$0x1a] =	wrdreg s22  }
0x1f: {  	s2 =	simm.s32 $0x180;
	s24 =	sadd.s32 $0xDC00, s12;
	[dreg:$0x1b] =	wrdreg s23  }
0x20: {  	s4 =	simm.s32 $0x580;
	s25 =	sadd.s32 $0xF000, s12;
	[dreg:$0x1c] =	wrdreg s24  }
0x21: {  	s11 =	simm.s32 $0x0;
	s26 =	sadd.s32 $0x10400, s12;
	[dreg:$0x1d] =	wrdreg s25  }
0x22: {  	s28 =	sadd.s32 $0x11800, s12;
	s31 =	sadd.s32 $0x12C00, s12;
	[dreg:$0x1e] =	wrdreg s26  }
.Ltmp0:
0x23: {  	s1 =	simm.s32 $0xA;
	[dreg:$0x1f] =	wrdreg s28;
	(pc) =	sbr.rel .LBB2_1-.Ltmp0, $4  }
0x24: {  	[smem:$0x7FD] =	sst s31;
	s17 =	simm.s32 $0x40;
	s20 =	simm.s32 $0x2800  }
0x25: {  	s21 =	simm.s32 $0x8800;
	s16 =	simm.s32 $0xE;
	s23 =	simm.s32 $0xD  }
0x26: {  	s24 =	simm.s32 $0x2;
	s26 =	simm.s32 $0x4800;
	s18 =	simm.s32 $0x9  }
0x27: {  	s25 =	simm.s32 $0x3;
	s15 =	simm.s32 $0x7;
	s22 =	simm.s32 $0x640  }
.LBB2_20:
0x28: {  	[bflag:$0x0] =	sbarrier.arrive $0xFFFF  }
0x29: {  	s8 =	rddreg [dreg:$0x10]  }
0x2a: {  	s16 =	simm.s32 $0xE;
	s12 =	rddreg [dreg:$0xd]  }
0x2b: {  	s13 =	rddreg [dreg:$0x15];
	s8 =	sor.u32 $0x1C0E, s8;
	s11 =	sshrl.u32 s12, $0x3  }
0x2c: {  	[hbm:s13], [sflag:s8] =	dma.local [spmem:s11], $0x2800  }
0x2d: {  	_ =	swait.ge [sflag:s16], $0x2800  }
0x2e: {  	s28 =	sld [smem:$0x7FC];
	_ =	sdelay $0x2  }
0x2f: {  	s31 =	rddreg [dreg:$0x16];
	s11 =	sadd.s32 $0x1, s28  }
0x30: {  	p0 =	sne.s32 s11, s31  }
.Ltmp1:
0x31: {  	_ = 	snop;
	(pc) =	sbr.rel @!p0 .LBB2_21-.Ltmp1, $3  }
0x32: {  	_ =	sdelay $0x1  }
0x33: {  	[sflag:s16] =	ssyncset.done $0x0  }
0x34: {  	[sflag:s16] =	ssyncadd.s32 $0xFFFFD800  }
.LBB2_1:
0x35: {  	[smem:$0x7FC] =	sst s11  }
0x36: {  	s8 =	simm.s32 $0x0;
	s28 =	rddreg [dreg:$0x6]  }
0x37: {  	[tilespmem:s8], [sflag:$0x1] =	stream.linear.gather [hbm4b:s28+s8], $0x100, $0x38;
	[tilespmem:$0x1DC00] =	vst v63  }
0x38: {  	s31 =	rddreg [dreg:$0x7];
	s13 =	simm.s32 $0x100  }
0x39: {  	[tilespmem:s13], [sflag:$0x2] =	stream.linear.gather [hbm4b:s31+s8], $0x100, $0x38;
	[tilespmem:$0x1DC00] =	vst v63  }
0x3a: {  	s28 =	rddreg [dreg:$0x8];
	s31 =	simm.s32 $0x200  }
0x3b: {  	[tilespmem:s31], [sflag:$0x3] =	stream.linear.gather [hbm4b:s28+s8], $0x100, $0x38;
	[tilespmem:$0x1DC00] =	vst v63  }
0x3c: {  	s28 =	rddreg [dreg:$0x9];
	s31 =	simm.s32 $0x300  }
0x3d: {  	[tilespmem:s31], [sflag:$0x4] =	stream.linear.gather [hbm4b:s28+s8], $0x100, $0x38;
	[tilespmem:$0x1DC00] =	vst v63  }
0x3e: {  	s28 =	rddreg [dreg:$0xa];
	s31 =	simm.s32 $0x400  }
0x3f: {  	[tilespmem:s31], [sflag:$0x5] =	stream.linear.gather [hbm4b:s28+s8], $0x100, $0x38;
	[tilespmem:$0x1DC00] =	vst v63  }
0x40: {  	s28 =	rddreg [dreg:$0xb];
	s31 =	simm.s32 $0x500  }
0x41: {  	[tilespmem:s31], [sflag:$0x6] =	stream.linear.gather [hbm4b:s28+s8], $0x100, $0x38;
	[tilespmem:$0x1DC00] =	vst v63  }
0x42: {  	s28 =	rddreg [dreg:$0xc];
	s31 =	simm.s32 $0x1  }
0x43: {  	[tilespmem:s14], [sflag:$0x7] =	stream.linear.gather [hbm4b:s28+s8], $0x100, $0x38;
	[tilespmem:$0x1DC00] =	vst v63  }
0x44: {  	_ =	swait.ge [sflag:s31], $0x100  }
0x45: {  	[sflag:s31] =	ssyncset.done $0x0  }
0x46: {  	[sflag:s31] =	ssyncadd.s32 $0xFFFFFF00  }
0x47: {  	[tilespmem:s19], [sflag:$0x9] =	stream.indirect.gather [hbm4b:s0+s17], $0x80, s8, s17, $0xb8;
	[tilespmem:$0x1DC00] =	vst v63  }
0x48: {  	_ = 	snop  }
0x49: {  	[tilespmem:s20], [sflag:$0x9] =	stream.indirect.gather [hbm4b:s0+s17], $0x80, s17, s17, $0xb8;
	[tilespmem:$0x1DC00] =	vst v63  }
0x4a: {  	s13 =	rddreg [dreg:$0x5]  }
0x4b: {  	[tilespmem:s21], [sflag:$0xE] =	stream.linear.gather [hbm4b:s13+s8], $0x1400, $0x38;
	[tilespmem:$0x1DC00] =	vst v63  }
0x4c: {  	_ =	swait.ge [sflag:s16], $0x1400  }
0x4d: {  	[sflag:s16] =	ssyncset.done $0x0  }
0x4e: {  	s28 =	rddreg [dreg:$0xf];
	[sflag:s16] =	ssyncadd.s32 $0xFFFFEC00  }
0x4f: {  	[spmem:s12] =	stream.linear.scatter [tilespmem:s21], [sflag:$0xD], $0x1400, $0x38;
	[tilespmem:$0x1DC00] =	vst v63  }
0x50: {  	s16 =	rddreg [dreg:$0xe]  }
0x51: {  	[spmem:s16] =	stream.linear.scatter [tilespmem:s21], [sflag:$0xD], $0x1400, $0x38;
	[tilespmem:$0x1DC00] =	vst v63  }
0x52: {  	s31 =	rddreg [dreg:$0x11]  }
0x53: {  	[spmem:s28] =	stream.linear.scatter [tilespmem:s21], [sflag:$0xD], $0x1400, $0x38;
	[tilespmem:$0x1DC00] =	vst v63  }
0x54: {  	s11 =	rddreg [dreg:$0x12]  }
0x55: {  	[spmem:s31] =	stream.linear.scatter [tilespmem:s21], [sflag:$0xD], $0x1400, $0x38;
	[tilespmem:$0x1DC00] =	vst v63  }
0x56: {  	s13 =	rddreg [dreg:$0x14]  }
0x57: {  	[spmem:s11] =	stream.linear.scatter [tilespmem:s21], [sflag:$0xD], $0x1400, $0x38;
	[tilespmem:$0x1DC00] =	vst v63  }
0x58: {  	s12 =	rddreg [dreg:$0x13]  }
0x59: {  	[spmem:s12] =	stream.linear.scatter [tilespmem:s21], [sflag:$0xD], $0x1400, $0x38;
	[tilespmem:$0x1DC00] =	vst v63  }
0x5a: {  	s16 =	rddreg [dreg:$0x18]  }
0x5b: {  	[spmem:s13] =	stream.linear.scatter [tilespmem:s21], [sflag:$0xD], $0x1400, $0x38;
	[tilespmem:$0x1DC00] =	vst v63  }
0x5c: {  	s28 =	rddreg [dreg:$0x19]  }
0x5d: {  	[spmem:s16] =	stream.linear.scatter [tilespmem:s21], [sflag:$0xD], $0x1400, $0x38;
	[tilespmem:$0x1DC00] =	vst v63  }
0x5e: {  	s31 =	rddreg [dreg:$0x1a]  }
0x5f: {  	[spmem:s28] =	stream.linear.scatter [tilespmem:s21], [sflag:$0xD], $0x1400, $0x38;
	[tilespmem:$0x1DC00] =	vst v63  }
0x60: {  	s11 =	rddreg [dreg:$0x1b]  }
0x61: {  	[spmem:s31] =	stream.linear.scatter [tilespmem:s21], [sflag:$0xD], $0x1400, $0x38;
	[tilespmem:$0x1DC00] =	vst v63  }
0x62: {  	s12 =	rddreg [dreg:$0x1c]  }
0x63: {  	[spmem:s11] =	stream.linear.scatter [tilespmem:s21], [sflag:$0xD], $0x1400, $0x38;
	[tilespmem:$0x1DC00] =	vst v63  }
0x64: {  	s13 =	rddreg [dreg:$0x1d]  }
0x65: {  	[spmem:s12] =	stream.linear.scatter [tilespmem:s21], [sflag:$0xD], $0x1400, $0x38;
	[tilespmem:$0x1DC00] =	vst v63  }
0x66: {  	s16 =	rddreg [dreg:$0x1e]  }
0x67: {  	[spmem:s13] =	stream.linear.scatter [tilespmem:s21], [sflag:$0xD], $0x1400, $0x38;
	[tilespmem:$0x1DC00] =	vst v63  }
0x68: {  	s28 =	rddreg [dreg:$0x1f]  }
0x69: {  	[spmem:s16] =	stream.linear.scatter [tilespmem:s21], [sflag:$0xD], $0x1400, $0x38;
	[tilespmem:$0x1DC00] =	vst v63  }
0x6a: {  	s31 =	sld [smem:$0x7FD]  }
0x6b: {  	[spmem:s28] =	stream.linear.scatter [tilespmem:s21], [sflag:$0xD], $0x1400, $0x38;
	[tilespmem:$0x1DC00] =	vst v63  }
0x6c: {  	_ = 	snop  }
0x6d: {  	[spmem:s31] =	stream.linear.scatter [tilespmem:s21], [sflag:$0xD], $0x1400, $0x38;
	[tilespmem:$0x1DC00] =	vst v63  }
0x6e: {  	_ =	swait.ge [sflag:s23], $0x1400  }
0x6f: {  	[sflag:s23] =	ssyncset.done $0x0  }
0x70: {  	[sflag:s23] =	ssyncadd.s32 $0xFFFFEC00  }
0x71: {  	_ =	swait.ge [sflag:s23], $0x1400  }
0x72: {  	[sflag:s23] =	ssyncset.done $0x0  }
0x73: {  	[sflag:s23] =	ssyncadd.s32 $0xFFFFEC00  }
0x74: {  	_ =	swait.ge [sflag:s23], $0x1400  }
0x75: {  	[sflag:s23] =	ssyncset.done $0x0  }
0x76: {  	[sflag:s23] =	ssyncadd.s32 $0xFFFFEC00  }
0x77: {  	_ =	swait.ge [sflag:s23], $0x1400  }
0x78: {  	[sflag:s23] =	ssyncset.done $0x0  }
0x79: {  	[sflag:s23] =	ssyncadd.s32 $0xFFFFEC00  }
0x7a: {  	_ =	swait.ge [sflag:s23], $0x1400  }
0x7b: {  	[sflag:s23] =	ssyncset.done $0x0  }
0x7c: {  	[sflag:s23] =	ssyncadd.s32 $0xFFFFEC00  }
0x7d: {  	_ =	swait.ge [sflag:s23], $0x1400  }
0x7e: {  	[sflag:s23] =	ssyncset.done $0x0  }
0x7f: {  	[sflag:s23] =	ssyncadd.s32 $0xFFFFEC00  }
0x80: {  	_ =	swait.ge [sflag:s23], $0x1400  }
0x81: {  	[sflag:s23] =	ssyncset.done $0x0  }
0x82: {  	[sflag:s23] =	ssyncadd.s32 $0xFFFFEC00  }
0x83: {  	_ =	swait.ge [sflag:s23], $0x1400  }
0x84: {  	[sflag:s23] =	ssyncset.done $0x0  }
0x85: {  	[sflag:s23] =	ssyncadd.s32 $0xFFFFEC00  }
0x86: {  	_ =	swait.ge [sflag:s23], $0x1400  }
0x87: {  	[sflag:s23] =	ssyncset.done $0x0  }
0x88: {  	[sflag:s23] =	ssyncadd.s32 $0xFFFFEC00  }
0x89: {  	_ =	swait.ge [sflag:s23], $0x1400  }
0x8a: {  	[sflag:s23] =	ssyncset.done $0x0  }
0x8b: {  	[sflag:s23] =	ssyncadd.s32 $0xFFFFEC00  }
0x8c: {  	_ =	swait.ge [sflag:s23], $0x1400  }
0x8d: {  	[sflag:s23] =	ssyncset.done $0x0  }
0x8e: {  	[sflag:s23] =	ssyncadd.s32 $0xFFFFEC00  }
0x8f: {  	_ =	swait.ge [sflag:s23], $0x1400  }
0x90: {  	[sflag:s23] =	ssyncset.done $0x0  }
0x91: {  	[sflag:s23] =	ssyncadd.s32 $0xFFFFEC00  }
0x92: {  	_ =	swait.ge [sflag:s23], $0x1400  }
0x93: {  	[sflag:s23] =	ssyncset.done $0x0  }
0x94: {  	[sflag:s23] =	ssyncadd.s32 $0xFFFFEC00  }
0x95: {  	_ =	swait.ge [sflag:s23], $0x1400  }
0x96: {  	[sflag:s23] =	ssyncset.done $0x0  }
0x97: {  	[sflag:s23] =	ssyncadd.s32 $0xFFFFEC00  }
0x98: {  	_ =	swait.ge [sflag:s23], $0x1400  }
0x99: {  	[sflag:s23] =	ssyncset.done $0x0  }
0x9a: {  	[sflag:s23] =	ssyncadd.s32 $0xFFFFEC00  }
.Ltmp2:
0x9b: {  	_ =	swait.ge [sflag:s23], $0x1400;
	(pc) =	sbr.rel .LBB2_2-.Ltmp2, $4  }
0x9c: {  	[sflag:s23] =	ssyncset.done $0x0  }
0x9d: {  	[sflag:s23] =	ssyncadd.s32 $0xFFFFEC00  }
0x9e: {  	[bflag:$0x0] =	sbarrier.arrive $0xFFFF  }
0x9f: {  	s16 =	simm.s32 $0x0;
	s13 =	rddreg [dreg:$0x17]  }
.LBB2_16:
0xa0: {  	_ =	swait.ge [sflag:s15], $0x100  }
0xa1: {  	[sflag:s15] =	ssyncset.done $0x0  }
0xa2: {  	[sflag:s15] =	ssyncadd.s32 $0xFFFFFF00  }
0xa3: {  	[tilespmem:s19], [sflag:$0x9] =	stream.indirect.gather [hbm4b:s0+s17], $0x80, s14, s17, $0xb8;
	[tilespmem:$0x1DC00] =	vst v63  }
0xa4: {  	_ = 	snop  }
0xa5: {  	[tilespmem:s20], [sflag:$0x9] =	stream.indirect.gather [hbm4b:s0+s17], $0x80, s22, s17, $0xb8;
	[tilespmem:$0x1DC00] =	vst v63  }
.LBB2_18:
0xa6: {  	_ =	swait.ge [sflag:s1], $0x2000  }
0xa7: {  	[sflag:s1] =	ssyncset.done $0x0  }
0xa8: {  	[sflag:s1] =	ssyncadd.s32 $0xFFFFE000  }
0xa9: {  	_ =	swait.ge [sflag:s1], $0x2000  }
0xaa: {  	[sflag:s1] =	ssyncset.done $0x0  }
0xab: {  	[sflag:s1] =	ssyncadd.s32 $0xFFFFE000  }
0xac: {  	[spmem:s3] =	stream.indirect.scatter.add.f32 [tilespmem:s26], [sflag:$0xC], $0x80, s4, s30, $0xb8;
	[tilespmem:$0x1DC00] =	vst v63  }
.LBB2_19:
0xad: {  	s11 =	sadd.s32 $0x180, s8  }
0xae: {  	p4 =	sgt.u32 s11, $0x9C3  }
0xaf: {  	s11 =	sadd.s32 @!p4 $0x1400, s13;
	s12 =	simm.s32 @!p4 $0x0;
	s28 =	simm.s32 @!p4 $0x400  }
0xb0: {  	[tilespmem:s28], [sflag:$0x5] =	stream.linear.gather @!p4 [hbm4b:s11+s12], $0x100, $0x38;
	[tilespmem:$0x1DC00] =	vst v63  }
0xb1: {  	s11 =	simm.s32 @!p3 $0xC  }
0xb2: {  	_ =	swait.ge @!p3 [sflag:s11], $0x4000  }
0xb3: {  	[sflag:s11] =	ssyncset.done @!p3 $0x0  }
0xb4: {  	[sflag:s11] =	ssyncadd.s32 @!p3 $0xFFFFC000;
	s11 =	simm.s32 @!p0 $0x8  }
0xb5: {  	_ =	swait.ge @!p0 [sflag:s11], $0x100  }
0xb6: {  	s12 =	simm.s32 @!p0 $0x700;
	[sflag:s11] =	ssyncset.done @!p0 $0x0  }
0xb7: {  	s28 =	simm.s32 @!p0 $0x4800;
	[sflag:s11] =	ssyncadd.s32 @!p0 $0xFFFFFF00;
	s11 =	simm.s32 @!p0 $0x40  }
0xb8: {  	[tilespmem:s28], [sflag:$0xA] =	stream.indirect.gather @!p0 [hbm4b:s0+s11], $0x80, s12, s11, $0xb8;
	[tilespmem:$0x1DC00] =	vst v63  }
0xb9: {  	s31 =	simm.s32 @!p0 $0x6800;
	s12 =	simm.s32 @!p0 $0x740  }
0xba: {  	[tilespmem:s31], [sflag:$0xA] =	stream.indirect.gather @!p0 [hbm4b:s0+s11], $0x80, s12, s11, $0xb8;
	[tilespmem:$0x1DC00] =	vst v63  }
0xbb: {  	s11 =	simm.s32 @!p2 $0x9  }
0xbc: {  	_ =	swait.ge @!p2 [sflag:s11], $0x2000  }
0xbd: {  	[sflag:s11] =	ssyncset.done @!p2 $0x0  }
0xbe: {  	[sflag:s11] =	ssyncadd.s32 @!p2 $0xFFFFE000  }
0xbf: {  	_ =	swait.ge @!p2 [sflag:s11], $0x2000  }
0xc0: {  	s12 =	simm.s32 @!p2 $0x680;
	[sflag:s11] =	ssyncset.done @!p2 $0x0  }
0xc1: {  	s31 =	simm.s32 @!p2 $0x800;
	[sflag:s11] =	ssyncadd.s32 @!p2 $0xFFFFE000;
	s11 =	simm.s32 @!p2 $0x80  }
0xc2: {  	[spmem:s3] =	stream.indirect.scatter.add.f32 @!p2 [tilespmem:s31], [sflag:$0xB], $0x80, s12, s11, $0xb8;
	[tilespmem:$0x1DC00] =	vst v63  }
0xc3: {  	s12 =	sadd.s32 $0x1A0, s8  }
0xc4: {  	p3 =	sgt.u32 s12, $0x9C3  }
0xc5: {  	s11 =	sadd.s32 @!p3 $0x1800, s13;
	s12 =	simm.s32 @!p3 $0x0;
	s31 =	simm.s32 @!p3 $0x500  }
0xc6: {  	[tilespmem:s31], [sflag:$0x6] =	stream.linear.gather @!p3 [hbm4b:s11+s12], $0x100, $0x38;
	[tilespmem:$0x1DC00] =	vst v63  }
0xc7: {  	s11 =	simm.s32 @!p2 $0xB  }
0xc8: {  	_ =	swait.ge @!p2 [sflag:s11], $0x4000  }
0xc9: {  	[sflag:s11] =	ssyncset.done @!p2 $0x0  }
0xca: {  	[sflag:s11] =	ssyncadd.s32 @!p2 $0xFFFFC000;
	s11 =	simm.s32 @!p1 $0x1  }
0xcb: {  	_ =	swait.ge @!p1 [sflag:s11], $0x100  }
0xcc: {  	s12 =	simm.s32 @!p1 $0x0;
	[sflag:s11] =	ssyncset.done @!p1 $0x0  }
0xcd: {  	s31 =	simm.s32 @!p1 $0x800;
	[sflag:s11] =	ssyncadd.s32 @!p1 $0xFFFFFF00;
	s11 =	simm.s32 @!p1 $0x40  }
0xce: {  	[tilespmem:s31], [sflag:$0x9] =	stream.indirect.gather @!p1 [hbm4b:s0+s11], $0x80, s12, s11, $0xb8;
	[tilespmem:$0x1DC00] =	vst v63  }
0xcf: {  	s12 =	simm.s32 @!p1 $0x2800  }
0xd0: {  	[tilespmem:s12], [sflag:$0x9] =	stream.indirect.gather @!p1 [hbm4b:s0+s11], $0x80, s11, s11, $0xb8;
	[tilespmem:$0x1DC00] =	vst v63  }
0xd1: {  	s11 =	simm.s32 @!p0 $0xA  }
0xd2: {  	_ =	swait.ge @!p0 [sflag:s11], $0x2000  }
0xd3: {  	[sflag:s11] =	ssyncset.done @!p0 $0x0  }
0xd4: {  	[sflag:s11] =	ssyncadd.s32 @!p0 $0xFFFFE000  }
0xd5: {  	_ =	swait.ge @!p0 [sflag:s11], $0x2000  }
0xd6: {  	s31 =	sadd.s32 $0x1C0, s8;
	[sflag:s11] =	ssyncset.done @!p0 $0x0  }
0xd7: {  	s12 =	simm.s32 @!p0 $0x780;
	[sflag:s11] =	ssyncadd.s32 @!p0 $0xFFFFE000;
	s11 =	simm.s32 @!p0 $0x80  }
0xd8: {  	[spmem:s3] =	stream.indirect.scatter.add.f32 @!p0 [tilespmem:s28], [sflag:$0xC], $0x80, s12, s11, $0xb8;
	[tilespmem:$0x1DC00] =	vst v63  }
0xd9: {  	s16 =	sadd.s32 $0x100, s16;
	p0 =	sgt.u32 s31, $0x9C3  }
0xda: {  	s8 =	sadd.s32 @!p0 $0x1C00, s13;
	s11 =	simm.s32 @!p0 $0x0;
	s12 =	simm.s32 @!p0 $0x600  }
0xdb: {  	[tilespmem:s12], [sflag:$0x7] =	stream.linear.gather @!p0 [hbm4b:s8+s11], $0x100, $0x38;
	[tilespmem:$0x1DC00] =	vst v63  }
0xdc: {  	p0 =	sne.s32 s16, $0xB00  }
.Ltmp3:
0xdd: {  	_ = 	snop;
	(pc) =	sbr.rel @!p0 .LBB2_20-.Ltmp3, $2  }
0xde: {  	_ =	sdelay $0x2  }
0xdf: {  	s13 =	sadd.s32 $0x2000, s13  }
.LBB2_2:
0xe0: {  	p0 =	seq.s32 s16, $0x0;
	s28 =	sadd.s32 s16, s5  }
0xe1: {  	p1 =	sge.u32 @!p0 s16, s10;
	p3 =	sgt.u32 s28, $0x9A3  }
.Ltmp4:
0xe2: {  	p0 =	por p1, p0;
	(pc) =	sbr.rel @p3 .LBB2_4-.Ltmp4, $4  }
0xe3: {  	s8 =	simm.s32 @!p0 $0xC  }
0xe4: {  	_ =	swait.ge @!p0 [sflag:s8], $0x4000  }
0xe5: {  	[sflag:s8] =	ssyncset.done @!p0 $0x0  }
0xe6: {  	[sflag:s8] =	ssyncadd.s32 @!p0 $0xFFFFC000  }
0xe7: {  	_ =	swait.ge [sflag:s24], $0x100  }
.Ltmp5:
0xe8: {  	[sflag:s24] =	ssyncset.done $0x0;
	(pc) =	sbr.rel .LBB2_5-.Ltmp5, $4  }
0xe9: {  	s8 =	simm.s32 $0x100;
	[sflag:s24] =	ssyncadd.s32 $0xFFFFFF00  }
0xea: {  	[tilespmem:s26], [sflag:$0xA] =	stream.indirect.gather [hbm4b:s0+s17], $0x80, s8, s17, $0xb8;
	[tilespmem:$0x1DC00] =	vst v63  }
0xeb: {  	s31 =	simm.s32 $0x140  }
0xec: {  	[tilespmem:s29], [sflag:$0xA] =	stream.indirect.gather [hbm4b:s0+s17], $0x80, s31, s17, $0xb8;
	[tilespmem:$0x1DC00] =	vst v63  }
.LBB2_4:
0xed: {  	p0 =	sgt.u32 s28, $0x9C3  }
.Ltmp6:
0xee: {  	_ = 	snop;
	(pc) =	sbr.rel @p0 .LBB2_6-.Ltmp6, $2  }
0xef: {  	_ =	sdelay $0x2  }
0xf0: {  	p1 =	por $0x0, $0x0  }
.LBB2_5:
0xf1: {  	_ =	swait.ge [sflag:s18], $0x2000  }
0xf2: {  	[sflag:s18] =	ssyncset.done $0x0  }
0xf3: {  	[sflag:s18] =	ssyncadd.s32 $0xFFFFE000  }
0xf4: {  	_ =	swait.ge [sflag:s18], $0x2000  }
0xf5: {  	[sflag:s18] =	ssyncset.done $0x0  }
0xf6: {  	p1 =	por $0x1, $0x1;
	[sflag:s18] =	ssyncadd.s32 $0xFFFFE000  }
0xf7: {  	[spmem:s3] =	stream.indirect.scatter.add.f32 [tilespmem:s19], [sflag:$0xB], $0x80, s30, s30, $0xb8;
	[tilespmem:$0x1DC00] =	vst v63  }
.LBB2_6:
0xf8: {  	s8 =	sadd.s32 s16, s7  }
0xf9: {  	s31 =	sadd.s32 $0xE0, s8  }
0xfa: {  	p0 =	sgt.u32 s31, $0x9C3  }
0xfb: {  	p2 =	sgt.u32 s28, $0x983;
	s31 =	simm.s32 @!p0 $0x0;
	s11 =	simm.s32 @!p0 $0x700  }
0xfc: {  	[tilespmem:s11], [sflag:$0x8] =	stream.linear.gather @!p0 [hbm4b:s13+s31], $0x100, $0x38;
	[tilespmem:$0x1DC00] =	vst v63  }
.Ltmp7:
0xfd: {  	_ = 	snop;
	(pc) =	sbr.rel @p2 .LBB2_8-.Ltmp7, $4  }
0xfe: {  	s11 =	simm.s32 @p1 $0xB  }
0xff: {  	_ =	swait.ge @p1 [sflag:s11], $0x4000  }
0x100: {  	[sflag:s11] =	ssyncset.done @p1 $0x0  }
0x101: {  	[sflag:s11] =	ssyncadd.s32 @p1 $0xFFFFC000  }
0x102: {  	_ =	swait.ge [sflag:s25], $0x100  }
.Ltmp8:
0x103: {  	[sflag:s25] =	ssyncset.done $0x0;
	(pc) =	sbr.rel .LBB2_9-.Ltmp8, $4  }
0x104: {  	s11 =	simm.s32 $0x200;
	[sflag:s25] =	ssyncadd.s32 $0xFFFFFF00  }
0x105: {  	[tilespmem:s19], [sflag:$0x9] =	stream.indirect.gather [hbm4b:s0+s17], $0x80, s11, s17, $0xb8;
	[tilespmem:$0x1DC00] =	vst v63  }
0x106: {  	s31 =	simm.s32 $0x240  }
0x107: {  	[tilespmem:s20], [sflag:$0x9] =	stream.indirect.gather [hbm4b:s0+s17], $0x80, s31, s17, $0xb8;
	[tilespmem:$0x1DC00] =	vst v63  }
.LBB2_8:
.Ltmp9:
0x108: {  	(pc) =	sbr.rel @p3 .LBB2_10-.Ltmp9, $1  }
0x109: {  	_ =	sdelay $0x3  }
.LBB2_9:
0x10a: {  	_ =	swait.ge [sflag:s1], $0x2000  }
0x10b: {  	[sflag:s1] =	ssyncset.done $0x0  }
0x10c: {  	[sflag:s1] =	ssyncadd.s32 $0xFFFFE000  }
0x10d: {  	_ =	swait.ge [sflag:s1], $0x2000  }
0x10e: {  	[sflag:s1] =	ssyncset.done $0x0  }
0x10f: {  	[sflag:s1] =	ssyncadd.s32 $0xFFFFE000  }
0x110: {  	[spmem:s3] =	stream.indirect.scatter.add.f32 [tilespmem:s26], [sflag:$0xC], $0x80, s2, s30, $0xb8;
	[tilespmem:$0x1DC00] =	vst v63  }
.LBB2_10:
.Ltmp10:
0x111: {  	(pc) =	sbr.rel @p3 .LBB2_15-.Ltmp10, $4  }
0x112: {  	s11 =	sadd.s32 $0x100, s8  }
0x113: {  	p1 =	sgt.u32 s11, $0x9C3  }
0x114: {  	p4 =	por $0x0, $0x0;
	s11 =	sadd.s32 @!p1 $0x400, s13;
	s31 =	simm.s32 @!p1 $0x0  }
0x115: {  	[tilespmem:s31], [sflag:$0x1] =	stream.linear.gather @!p1 [hbm4b:s11+s31], $0x100, $0x38;
	[tilespmem:$0x1DC00] =	vst v63  }
0x116: {  	p3 =	sgt.u32 s28, $0x963  }
.Ltmp11:
0x117: {  	_ = 	snop;
	(pc) =	sbr.rel @p3 .LBB2_13-.Ltmp11, $4  }
0x118: {  	_ = 	snop  }
0x119: {  	_ =	swait.ge [sflag:s6], $0x4000  }
0x11a: {  	[sflag:s6] =	ssyncset.done $0x0  }
0x11b: {  	[sflag:s6] =	ssyncadd.s32 $0xFFFFC000  }
0x11c: {  	_ =	swait.ge [sflag:s9], $0x100  }
.Ltmp12:
0x11d: {  	[sflag:s9] =	ssyncset.done $0x0;
	(pc) =	sbr.rel .LBB2_14-.Ltmp12, $4  }
0x11e: {  	s11 =	simm.s32 $0x300;
	[sflag:s9] =	ssyncadd.s32 $0xFFFFFF00  }
0x11f: {  	[tilespmem:s26], [sflag:$0xA] =	stream.indirect.gather [hbm4b:s0+s17], $0x80, s11, s17, $0xb8;
	[tilespmem:$0x1DC00] =	vst v63  }
0x120: {  	s31 =	simm.s32 $0x340  }
0x121: {  	[tilespmem:s29], [sflag:$0xA] =	stream.indirect.gather [hbm4b:s0+s17], $0x80, s31, s17, $0xb8;
	[tilespmem:$0x1DC00] =	vst v63  }
.LBB2_13:
.Ltmp13:
0x122: {  	(pc) =	sbr.rel @p2 .LBB2_15-.Ltmp13, $1  }
0x123: {  	_ =	sdelay $0x3  }
.LBB2_14:
0x124: {  	_ =	swait.ge [sflag:s18], $0x2000  }
0x125: {  	[sflag:s18] =	ssyncset.done $0x0  }
0x126: {  	[sflag:s18] =	ssyncadd.s32 $0xFFFFE000  }
0x127: {  	_ =	swait.ge [sflag:s18], $0x2000  }
0x128: {  	[sflag:s18] =	ssyncset.done $0x0  }
0x129: {  	s11 =	simm.s32 $0x280;
	p4 =	slt.u32 s28, $0x964;
	[sflag:s18] =	ssyncadd.s32 $0xFFFFE000  }
0x12a: {  	[spmem:s3] =	stream.indirect.scatter.add.f32 [tilespmem:s19], [sflag:$0xB], $0x80, s11, s30, $0xb8;
	[tilespmem:$0x1DC00] =	vst v63  }
.LBB2_15:
0x12b: {  	s11 =	sadd.s32 $0x120, s8  }
0x12c: {  	p3 =	sgt.u32 s11, $0x9C3  }
0x12d: {  	s11 =	sadd.s32 @!p3 $0x800, s13;
	s31 =	simm.s32 @!p3 $0x0;
	s12 =	simm.s32 @!p3 $0x100  }
0x12e: {  	[tilespmem:s12], [sflag:$0x2] =	stream.linear.gather @!p3 [hbm4b:s11+s31], $0x100, $0x38;
	[tilespmem:$0x1DC00] =	vst v63  }
0x12f: {  	s11 =	simm.s32 @!p2 $0xB  }
0x130: {  	p5 =	sgt.u32 @!p2 s28, $0x943;
	_ =	swait.ge @!p2 [sflag:s11], $0x4000  }
0x131: {  	p6 =	por p5, p2;
	[sflag:s11] =	ssyncset.done @!p2 $0x0  }
0x132: {  	[sflag:s11] =	ssyncadd.s32 @!p2 $0xFFFFC000;
	s11 =	simm.s32 @!p6 $0x5  }
0x133: {  	_ =	swait.ge @!p6 [sflag:s11], $0x100  }
0x134: {  	s12 =	simm.s32 @!p6 $0x400;
	[sflag:s11] =	ssyncset.done @!p6 $0x0  }
0x135: {  	s31 =	simm.s32 @!p6 $0x800;
	[sflag:s11] =	ssyncadd.s32 @!p6 $0xFFFFFF00;
	s11 =	simm.s32 @!p6 $0x40  }
0x136: {  	[tilespmem:s31], [sflag:$0x9] =	stream.indirect.gather @!p6 [hbm4b:s0+s11], $0x80, s12, s11, $0xb8;
	[tilespmem:$0x1DC00] =	vst v63  }
0x137: {  	s12 =	simm.s32 @!p6 $0x440;
	s31 =	simm.s32 @!p6 $0x2800  }
0x138: {  	[tilespmem:s31], [sflag:$0x9] =	stream.indirect.gather @!p6 [hbm4b:s0+s11], $0x80, s12, s11, $0xb8;
	[tilespmem:$0x1DC00] =	vst v63  }
0x139: {  	s11 =	simm.s32 @p4 $0xA  }
0x13a: {  	_ =	swait.ge @p4 [sflag:s11], $0x2000  }
0x13b: {  	[sflag:s11] =	ssyncset.done @p4 $0x0  }
0x13c: {  	[sflag:s11] =	ssyncadd.s32 @p4 $0xFFFFE000  }
0x13d: {  	_ =	swait.ge @p4 [sflag:s11], $0x2000  }
0x13e: {  	s12 =	simm.s32 @p4 $0x380;
	[sflag:s11] =	ssyncset.done @p4 $0x0  }
0x13f: {  	s31 =	simm.s32 @p4 $0x4800;
	[sflag:s11] =	ssyncadd.s32 @p4 $0xFFFFE000;
	s11 =	simm.s32 @p4 $0x80  }
0x140: {  	[spmem:s3] =	stream.indirect.scatter.add.f32 @p4 [tilespmem:s31], [sflag:$0xC], $0x80, s12, s11, $0xb8;
	[tilespmem:$0x1DC00] =	vst v63  }
0x141: {  	s12 =	sadd.s32 $0x140, s8  }
0x142: {  	p3 =	sgt.u32 s12, $0x9C3  }
0x143: {  	s11 =	sadd.s32 @!p3 $0xC00, s13;
	s12 =	simm.s32 @!p3 $0x0;
	s31 =	simm.s32 @!p3 $0x200  }
0x144: {  	[tilespmem:s31], [sflag:$0x3] =	stream.linear.gather @!p3 [hbm4b:s11+s12], $0x100, $0x38;
	[tilespmem:$0x1DC00] =	vst v63  }
0x145: {  	s11 =	simm.s32 @p4 $0xC  }
0x146: {  	_ =	swait.ge @p4 [sflag:s11], $0x4000  }
0x147: {  	p5 =	por !p5, p2;
	p3 =	sgt.u32 s28, $0x923;
	[sflag:s11] =	ssyncset.done @p4 $0x0  }
0x148: {  	p6 =	por @!p6 $0x1, $0x1;
	[sflag:s11] =	ssyncadd.s32 @p4 $0xFFFFC000;
	s11 =	simm.s32 @!p3 $0x6  }
0x149: {  	s12 =	simm.s32 @!p3 $0x500;
	p4 =	por @!p2 $0x0, $0x0;
	_ =	swait.ge @!p3 [sflag:s11], $0x100  }
0x14a: {  	s31 =	simm.s32 @!p3 $0x4800;
	p6 =	por @!p5 p4, p4;
	[sflag:s11] =	ssyncset.done @!p3 $0x0  }
0x14b: {  	p4 =	por $0x0, $0x0;
	[sflag:s11] =	ssyncadd.s32 @!p3 $0xFFFFFF00;
	s11 =	simm.s32 @!p3 $0x40  }
0x14c: {  	[tilespmem:s31], [sflag:$0xA] =	stream.indirect.gather @!p3 [hbm4b:s0+s11], $0x80, s12, s11, $0xb8;
	[tilespmem:$0x1DC00] =	vst v63  }
0x14d: {  	p4 =	por @!p2 p6, p6;
	s12 =	simm.s32 @!p3 $0x540;
	s31 =	simm.s32 @!p3 $0x6800  }
0x14e: {  	[tilespmem:s31], [sflag:$0xA] =	stream.indirect.gather @!p3 [hbm4b:s0+s11], $0x80, s12, s11, $0xb8;
	[tilespmem:$0x1DC00] =	vst v63  }
0x14f: {  	s11 =	simm.s32 @p4 $0x9  }
0x150: {  	_ =	swait.ge @p4 [sflag:s11], $0x2000  }
0x151: {  	[sflag:s11] =	ssyncset.done @p4 $0x0  }
0x152: {  	[sflag:s11] =	ssyncadd.s32 @p4 $0xFFFFE000  }
0x153: {  	_ =	swait.ge @p4 [sflag:s11], $0x2000  }
0x154: {  	s12 =	simm.s32 @p4 $0x480;
	[sflag:s11] =	ssyncset.done @p4 $0x0  }
0x155: {  	s31 =	simm.s32 @p4 $0x800;
	[sflag:s11] =	ssyncadd.s32 @p4 $0xFFFFE000;
	s11 =	simm.s32 @p4 $0x80  }
0x156: {  	[spmem:s3] =	stream.indirect.scatter.add.f32 @p4 [tilespmem:s31], [sflag:$0xB], $0x80, s12, s11, $0xb8;
	[tilespmem:$0x1DC00] =	vst v63  }
0x157: {  	s31 =	sadd.s32 $0x160, s8  }
0x158: {  	p2 =	sgt.u32 s31, $0x9C3  }
0x159: {  	s11 =	sadd.s32 @!p2 $0x1000, s13;
	s12 =	simm.s32 @!p2 $0x0;
	s31 =	simm.s32 @!p2 $0x300  }
0x15a: {  	[tilespmem:s31], [sflag:$0x4] =	stream.linear.gather @!p2 [hbm4b:s11+s12], $0x100, $0x38;
	[tilespmem:$0x1DC00] =	vst v63  }
0x15b: {  	p2 =	sgt.u32 s28, $0x903  }
.Ltmp14:
0x15c: {  	_ = 	snop;
	(pc) =	sbr.rel @!p2 .LBB2_16-.Ltmp14, $4  }
0x15d: {  	s11 =	simm.s32 @p4 $0xB  }
0x15e: {  	_ =	swait.ge @p4 [sflag:s11], $0x4000  }
0x15f: {  	[sflag:s11] =	ssyncset.done @p4 $0x0  }
0x160: {  	[sflag:s11] =	ssyncadd.s32 @p4 $0xFFFFC000  }
.Ltmp15:
0x161: {  	(pc) =	sbr.rel @p3 .LBB2_19-.Ltmp15, $4  }
.Ltmp16:
0x162: {  	(pc) =	sbr.rel @!p3 .LBB2_18-.Ltmp16, $4  }
0x163: {  	_ = 	snop  }
0x164: {  	_ = 	snop  }
0x165: {  	_ = 	snop  }
0x166: {  	_ = 	snop  }
.LBB2_21:
0x167: {  	_ =	sfence.sel $0x180000  }
0x168: {  	[bflag:$0x0] =	sbarrier.arrive $0xFFFF  }
0x169: {  	_ =	strace $0x90000047  }
0x16a: {  	s0 =	stileid.u32;
	[bflag:$0x2] =	sbarrier.arrive $0xFFFF  }
0x16b: {  	p0 =	sne.s32 s0, $0x0;
	s0 =	rddreg [dreg:$0x4]  }
0x16c: {  	s0 =	sadd.s32 @!p0 $0x100000, s0  }
0x16d: {  	[sflag:s0] =	ssyncadd.tile.s32 @!p0 $0x1;
	_ =	shalt  }
.Lfunc_end2:
_tile_overlayer_lowered:
.L_overlay_start_2:
0x16e: {  	(tag) =	ssettag $0x2  }
0x16f: {  	s0 =	rddreg [dreg:$0x0];
	s2 =	stileid.u32  }
0x170: {  	s1 =	rddreg [dreg:$0x1];
	p0 =	sne.s32 s2, $0x0  }
0x171: {  	s3 =	rddreg [dreg:$0x2];
	[bflag:$0x3] =	sbarrier.arrive $0xFFFF;
	s2 =	simm.s32 @!p0 $0x1C0E  }
0x172: {  	[timem:s3], [sflag:s2] =	dma.local @!p0 [hbm:s0], s1  }
0x173: {  	s0 =	simm.s32 @!p0 $0xE  }
0x174: {  	_ =	swait.ge @!p0 [sflag:s0], s1  }
0x175: {  	s1 =	ssub.s32 @!p0 $0x0, s1;
	[sflag:s0] =	ssyncset.done @!p0 $0x0  }
0x176: {  	[sflag:s0] =	ssyncadd.s32 @!p0 s1  }
0x177: {  	[bflag:$0x3] =	sbarrier.arrive $0xFFFF  }
0x178: {  	_ =	shalt  }

</sc_bundles>
